<compile_context>
chip_gen: v7x
topology: tpu7x:2x2x1
jax: 0.10.2.dev20260603
libtpu: 0.0.44.dev20260713+nightly
codegen_flags: <defaults>
</compile_context>

<pallas_src>
import functools

import jax
import jax.numpy as jnp
from jax import lax
from jax.experimental import pallas as pl
from jax.experimental.pallas import tpu as pltpu
from jax.experimental.pallas import tpu_sc as plsc

B, N, DEG, NP = 64, 64, 6, 512
F_M = 37
F_P = 480
BB = 4
BBM = 8

NC, NS, L = 2, 16, 16
NW = NC * NS
GPW = B // NW

_sc_mesh = plsc.VectorSubcoreMesh(core_axis_name="c", subcore_axis_name="s")


@functools.partial(
    pl.kernel, mesh=_sc_mesh,
    compiler_params=pltpu.CompilerParams(needs_layout_passes=False),
    out_type=jax.ShapeDtypeStruct((B, N, N), jnp.float32),
    scratch_types=[pltpu.VMEM((N * DEG,), jnp.int32),
                   pltpu.VMEM((N, N), jnp.float32)],
)
def _g_build(edges_hbm, zeros_hbm, out_hbm, ev, gv):
    wid = lax.axis_index("s") * NC + lax.axis_index("c")
    ones = jnp.full((L,), 1.0, jnp.float32)
    for t in range(GPW):
        g = wid * GPW + t
        pltpu.sync_copy(edges_hbm.at[g], ev)
        pltpu.sync_copy(zeros_hbm, gv)
        for blk in range(N * DEG // L):
            n0 = (blk * L) % N
            cols = ev[pl.ds(blk * L, L)]
            rows = lax.broadcasted_iota(jnp.int32, (L,), 0) + n0
            plsc.addupdate_scatter(gv, [rows, cols], ones)
        pltpu.sync_copy(gv, out_hbm.at[g])


def _dot(a, b):
    return jax.lax.dot_general(a, b, (((1,), (0,)), ((), ())),
                               preferred_element_type=jnp.float32)


def _gdot(G, v):
    return jax.lax.dot_general(G, v, (((1,), (0,)), ((), ())),
                               precision=jax.lax.Precision.HIGHEST,
                               preferred_element_type=jnp.float32)


def _protein_body(p_atoms_ref, p_edges_ref, W_p1_ref, b_p1_ref,
                  W_p2_ref, b_p2_ref, W_gop_ref, b_gop_ref, fp_p_ref):
    for i in range(BB):
        x = p_atoms_ref[i]
        adj = p_edges_ref[i]
        t1 = _dot(adj, x)
        p1 = jax.nn.relu(_dot(t1, W_p1_ref[...]) + b_p1_ref[...][None, :])
        t2 = _dot(adj, p1)
        p2 = jax.nn.relu(_dot(t2, W_p2_ref[...]) + b_p2_ref[...][None, :])
        g = jnp.tanh(_dot(p2, W_gop_ref[...]) + b_gop_ref[...][None, :])
        fp_p_ref[i] = jnp.sum(g, axis=0, keepdims=True)


def _mol_body(m_atoms_ref, m_bonds_ref, G_ref,
              W_m1_ref, b_m1_ref, W_m2_ref, b_m2_ref, W_go_ref, b_go_ref,
              fp_m_ref):
    W_m1 = W_m1_ref[...]
    W_m2 = W_m2_ref[...]
    W_go = W_go_ref[...]
    for i in range(BBM):
        a0 = m_atoms_ref[i]
        bsum = jnp.sum(m_bonds_ref[i], axis=1)
        G = G_ref[i]

        h = _dot(a0 + _gdot(G, a0), W_m1[:F_M]) + _dot(bsum, W_m1[F_M:]) \
            + b_m1_ref[...][None, :]
        h1 = jax.nn.relu(h)

        h = _dot(h1 + _gdot(G, h1), W_m2[:128]) + _dot(bsum, W_m2[128:]) \
            + b_m2_ref[...][None, :]
        h2 = jax.nn.relu(h)

        go = jnp.tanh(_dot(h2, W_go[:128]) + _dot(bsum, W_go[128:])
                      + b_go_ref[...][None, :])
        fp_m_ref[i] = jnp.sum(go, axis=0, keepdims=True)


def _head_body(fp_m_ref, fp_p_ref, W_fc1_ref, b_fc1_ref, W_fc3_ref,
               b_fc3_ref, W_fc2_ref, b_fc2_ref, out_ref):
    W_fc1 = W_fc1_ref[...]
    tmp = _dot(fp_m_ref[...], W_fc1[:128]) + _dot(fp_p_ref[...], W_fc1[128:]) \
        + b_fc1_ref[...][None, :]
    tmp1 = _dot(tmp, W_fc3_ref[...]) + b_fc3_ref[...][None, :]
    out_ref[...] = jax.nn.sigmoid(_dot(tmp1, W_fc2_ref[...])
                                  + b_fc2_ref[...][None, :])


@jax.jit
def kernel(m_atoms, m_bonds, m_edges, p_atoms, p_edges,
           W_m1, b_m1, W_m2, b_m2, W_go, b_go,
           W_p1, b_p1, W_p2, b_p2, W_gop, b_gop,
           W_fc1, b_fc1, W_fc3, b_fc3, W_fc2, b_fc2):
    whole = lambda *s: pl.BlockSpec(s, lambda b: (0,) * len(s))

    edges_t = m_edges.transpose(0, 2, 1).reshape(B, DEG * N)
    G_all = _g_build(edges_t, jnp.zeros((N, N), jnp.float32))

    fp_p = pl.pallas_call(
        _protein_body,
        grid=(B // BB,),
        in_specs=[
            pl.BlockSpec((BB, NP, F_P), lambda b: (b, 0, 0)),
            pl.BlockSpec((BB, NP, NP), lambda b: (b, 0, 0)),
            whole(F_P, 200), whole(200),
            whole(200, 100), whole(100),
            whole(100, 128), whole(128),
        ],
        out_specs=pl.BlockSpec((BB, 1, 128), lambda b: (b, 0, 0)),
        out_shape=jax.ShapeDtypeStruct((B, 1, 128), jnp.float32),
    )(p_atoms, p_edges, W_p1, b_p1, W_p2, b_p2, W_gop, b_gop)

    fp_m = pl.pallas_call(
        _mol_body,
        grid=(B // BBM,),
        in_specs=[
            pl.BlockSpec((BBM, N, F_M), lambda b: (b, 0, 0)),
            pl.BlockSpec((BBM, N, DEG, 6), lambda b: (b, 0, 0, 0)),
            pl.BlockSpec((BBM, N, N), lambda b: (b, 0, 0)),
            whole(43, 128), whole(128),
            whole(134, 128), whole(128),
            whole(134, 128), whole(128),
        ],
        out_specs=pl.BlockSpec((BBM, 1, 128), lambda b: (b, 0, 0)),
        out_shape=jax.ShapeDtypeStruct((B, 1, 128), jnp.float32),
    )(m_atoms, m_bonds, G_all, W_m1, b_m1, W_m2, b_m2, W_go, b_go)

    out = pl.pallas_call(
        _head_body,
        out_shape=jax.ShapeDtypeStruct((B, 1), jnp.float32),
    )(fp_m.reshape(B, 128), fp_p.reshape(B, 128),
      W_fc1, b_fc1, W_fc3, b_fc3, W_fc2, b_fc2)
    return out

# --- scband reference (transcript-rebuilt; emitter-appended) ---
"""Pipeline reference for scband-qsar-2018634629407 (READ-ONLY COPY).

The authoritative reference and input builder live on the scoring server;
editing this copy changes nothing except your own understanding.
"""

import jax, jax.numpy as jnp
import numpy as np

# Assumed submodule semantics (NGF-style batched molecular graph conv):
#  GraphConv(atoms[B,N,F], bonds[B,N,DEG,6], edges[B,N,DEG] int):
#    neighbor-gather atoms via edges, sum over DEG, sum bond feats over DEG,
#    concat([atoms + neigh_sum, bond_sum]) @ W + b  (input_dim = F + 6)
#  GraphOutput: tanh(concat([atoms, bond_sum]) @ W + b) summed over atoms
#  GraphConv_p(atoms[B,Np,F], adj[B,Np,Np] float): (adj @ atoms) @ W + b
#  GraphOutput_p: tanh(atoms @ W + b) summed over residues

def _gconv(atoms, bonds, edges, W, b):
    neigh = jax.vmap(lambda a, e: a[e])(atoms, edges)  # [B,N,DEG,F] gather
    nsum = jnp.sum(neigh, axis=2)
    bsum = jnp.sum(bonds, axis=2)
    h = jnp.concatenate([atoms + nsum, bsum], axis=-1)
    return h @ W + b

def _gout(atoms, bonds, W, b):
    bsum = jnp.sum(bonds, axis=2)
    h = jnp.tanh(jnp.concatenate([atoms, bsum], axis=-1) @ W + b)
    return jnp.sum(h, axis=1)

def _gconv_p(adj, x, W, b):
    return jnp.einsum('bij,bjf->bif', adj, x) @ W + b

def setup_inputs(seed: int = 0):
    key = jax.random.key(seed)
    ks = jax.random.split(key, 24)
    B, N, DEG, NP = 64, 64, 6, 512
    def w(k, shape):
        return jax.random.normal(k, shape, dtype=jnp.float32) / np.sqrt(shape[0])
    return {
        'm_atoms': jax.random.normal(ks[0], (B, N, 37), dtype=jnp.float32),
        'm_bonds': jax.random.uniform(ks[1], (B, N, DEG, 6), dtype=jnp.float32),
        'm_edges': jax.random.randint(ks[2], (B, N, DEG), 0, N, dtype=jnp.int32),
        'p_atoms': jax.random.normal(ks[3], (B, NP, 480), dtype=jnp.float32),
        'p_edges': jax.random.uniform(ks[4], (B, NP, NP), dtype=jnp.float32) / NP,
        'W_m1': w(ks[5], (43, 128)), 'b_m1': jnp.zeros((128,), jnp.float32),
        'W_m2': w(ks[6], (134, 128)), 'b_m2': jnp.zeros((128,), jnp.float32),
        'W_go': w(ks[7], (134, 128)), 'b_go': jnp.zeros((128,), jnp.float32),
        'W_p1': w(ks[8], (480, 200)), 'b_p1': jnp.zeros((200,), jnp.float32),
        'W_p2': w(ks[9], (200, 100)), 'b_p2': jnp.zeros((100,), jnp.float32),
        'W_gop': w(ks[10], (100, 128)), 'b_gop': jnp.zeros((128,), jnp.float32),
        'W_fc1': w(ks[11], (256, 100)), 'b_fc1': jnp.zeros((100,), jnp.float32),
        'W_fc3': w(ks[12], (100, 100)), 'b_fc3': jnp.zeros((100,), jnp.float32),
        'W_fc2': w(ks[13], (100, 1)), 'b_fc2': jnp.zeros((1,), jnp.float32),
    }

def reference(m_atoms, m_bonds, m_edges, p_atoms, p_edges,
              W_m1, b_m1, W_m2, b_m2, W_go, b_go,
              W_p1, b_p1, W_p2, b_p2, W_gop, b_gop,
              W_fc1, b_fc1, W_fc3, b_fc3, W_fc2, b_fc2):
    m = jax.nn.relu(_gconv(m_atoms, m_bonds, m_edges, W_m1, b_m1))
    m = jax.nn.relu(_gconv(m, m_bonds, m_edges, W_m2, b_m2))
    fp_m = _gout(m, m_bonds, W_go, b_go)
    p = jax.nn.relu(_gconv_p(p_edges, p_atoms, W_p1, b_p1))
    p = jax.nn.relu(_gconv_p(p_edges, p, W_p2, b_p2))
    fp_p = jnp.sum(jnp.tanh(p @ W_gop + b_gop), axis=1)
    fp = jnp.concatenate([fp_m, fp_p], axis=1)
    tmp = fp @ W_fc1 + b_fc1
    tmp1 = tmp @ W_fc3 + b_fc3
    out = jax.nn.sigmoid(tmp1 @ W_fc2 + b_fc2)
    return out

if __name__ == "__main__":
    import jax
    _d = setup_inputs()
    print(jax.jit(kernel)(*tuple(_d.values())))

</pallas_src>

<mosaic_0001>
#map = affine_map<(d0, d1) -> (0, 0)>
#map1 = affine_map<(d0, d1) -> (0, 0, 0)>
module attributes {stable_mosaic.version = 14 : i64} {
  func.func @_g_build(%arg0: i32, %arg1: i32, %arg2: memref<64x384xi32, #tpu.memory_space<hbm>>, %arg3: memref<64x64xf32, #tpu.memory_space<hbm>>, %arg4: memref<64x64x64xf32, #tpu.memory_space<hbm>>, %arg5: memref<384xi32, #tpu.memory_space<vmem>>, %arg6: memref<64x64xf32, #tpu.memory_space<vmem>>) attributes {dimension_semantics = [#tpu.dimension_semantics<core_parallel>, #tpu.dimension_semantics<subcore_parallel>], iteration_bounds = array<i64: 2, 16>, scalar_prefetch = 0 : i64, scratch_operands = 2 : i64, tpu.core_type = #tpu.core_type<sc_vector_subcore>, window_params = [{transform_indices = #map}, {transform_indices = #map}, {transform_indices = #map1}]} {
    %mul3A = arith.constant 2 : i32
    %mul3A_0 = arith.muli %arg1, %mul3A : i32
    %add3A = arith.addi %mul3A_0, %arg0 : i32
    %broadcast_in_dim3A = arith.constant 1.000000e+00 : f32
    %broadcast_in_dim3A_1 = vector.broadcast %broadcast_in_dim3A : f32 to vector<16xf32>
    %mul3A_2 = arith.constant 2 : i32
    %mul3A_3 = arith.muli %add3A, %mul3A_2 : i32
    %add3A_4 = arith.constant 0 : i32
    %add3A_5 = arith.addi %mul3A_3, %add3A_4 : i32
    "tpu.region"() ({
      %run_scoped3A = tpu.sem_alloc : memref<!tpu.dma_semaphore, #tpu.memory_space<semaphore_mem>>
      %dma_start3A = arith.constant 0 : i32
      %dma_start3A_296 = tpu.memref_slice %arg2[%add3A_5, %dma_start3A] : memref<64x384xi32, #tpu.memory_space<hbm>> -> memref<1x384xi32, #tpu.memory_space<hbm>>
      %dma_start3A_297 = tpu.memref_squeeze %dma_start3A_296 : memref<1x384xi32, #tpu.memory_space<hbm>> -> memref<384xi32, #tpu.memory_space<hbm>>
      %dma_start3A_298 = arith.constant 0 : i32
      %dma_start3A_299 = tpu.memref_slice %arg2[%add3A_5, %dma_start3A_298] : memref<64x384xi32, #tpu.memory_space<hbm>> -> memref<1x384xi32, #tpu.memory_space<hbm>>
      %dma_start3A_300 = tpu.memref_squeeze %dma_start3A_299 : memref<1x384xi32, #tpu.memory_space<hbm>> -> memref<384xi32, #tpu.memory_space<hbm>>
      tpu.enqueue_dma source(%dma_start3A_300 : memref<384xi32, #tpu.memory_space<hbm>>) target(%arg5 : memref<384xi32, #tpu.memory_space<vmem>>) target_semaphore(%run_scoped3A : memref<!tpu.dma_semaphore, #tpu.memory_space<semaphore_mem>>)
      %dma_wait3A = arith.constant 0 : i32
      %dma_wait3A_301 = tpu.memref_slice %arg2[%add3A_5, %dma_wait3A] : memref<64x384xi32, #tpu.memory_space<hbm>> -> memref<1x384xi32, #tpu.memory_space<hbm>>
      %dma_wait3A_302 = tpu.memref_squeeze %dma_wait3A_301 : memref<1x384xi32, #tpu.memory_space<hbm>> -> memref<384xi32, #tpu.memory_space<hbm>>
      %dma_wait3A_303 = arith.constant 0 : i32
      %dma_wait3A_304 = tpu.memref_slice %arg2[%add3A_5, %dma_wait3A_303] : memref<64x384xi32, #tpu.memory_space<hbm>> -> memref<1x384xi32, #tpu.memory_space<hbm>>
      %dma_wait3A_305 = tpu.memref_squeeze %dma_wait3A_304 : memref<1x384xi32, #tpu.memory_space<hbm>> -> memref<384xi32, #tpu.memory_space<hbm>>
      tpu.wait_dma2 semaphore(%run_scoped3A : memref<!tpu.dma_semaphore, #tpu.memory_space<semaphore_mem>>) src(%dma_wait3A_305 : memref<384xi32, #tpu.memory_space<hbm>>) dst(%arg5 : memref<384xi32, #tpu.memory_space<vmem>>)
      tpu.yield
    }) : () -> ()
    "tpu.region"() ({
      %run_scoped3A = tpu.sem_alloc : memref<!tpu.dma_semaphore, #tpu.memory_space<semaphore_mem>>
      tpu.enqueue_dma source(%arg3 : memref<64x64xf32, #tpu.memory_space<hbm>>) target(%arg6 : memref<64x64xf32, #tpu.memory_space<vmem>>) target_semaphore(%run_scoped3A : memref<!tpu.dma_semaphore, #tpu.memory_space<semaphore_mem>>)
      tpu.wait_dma2 semaphore(%run_scoped3A : memref<!tpu.dma_semaphore, #tpu.memory_space<semaphore_mem>>) src(%arg3 : memref<64x64xf32, #tpu.memory_space<hbm>>) dst(%arg6 : memref<64x64xf32, #tpu.memory_space<vmem>>)
      tpu.yield
    }) : () -> ()
    %get3A = arith.constant 0 : index
    %get3A_6 = tpu.vector_load %arg5[%get3A] {strides = array<i32>} : memref<384xi32, #tpu.memory_space<vmem>>, vector<16xi32>,
    %iota3A = tpu.iota {dimensions = array<i32: 0>} : vector<16xi32>
    %add3A_7 = arith.constant 0 : i32
    %add3A_8 = vector.broadcast %add3A_7 : i32 to vector<16xi32>
    %add3A_9 = arith.addi %iota3A, %add3A_8 : vector<16xi32>
    tpu.vector_store_idx %arg6[%add3A_9, %get3A_6], %broadcast_in_dim3A_1 {add = true} : memref<64x64xf32, #tpu.memory_space<vmem>>[vector<16xi32>, vector<16xi32>], vector<16xf32>,
    %get3A_10 = arith.constant 16 : index
    %get3A_11 = tpu.vector_load %arg5[%get3A_10] {strides = array<i32>} : memref<384xi32, #tpu.memory_space<vmem>>, vector<16xi32>,
    %iota3A_12 = tpu.iota {dimensions = array<i32: 0>} : vector<16xi32>
    %add3A_13 = arith.constant 16 : i32
    %add3A_14 = vector.broadcast %add3A_13 : i32 to vector<16xi32>
    %add3A_15 = arith.addi %iota3A_12, %add3A_14 : vector<16xi32>
    tpu.vector_store_idx %arg6[%add3A_15, %get3A_11], %broadcast_in_dim3A_1 {add = true} : memref<64x64xf32, #tpu.memory_space<vmem>>[vector<16xi32>, vector<16xi32>], vector<16xf32>,
    %get3A_16 = arith.constant 32 : index
    %get3A_17 = tpu.vector_load %arg5[%get3A_16] {strides = array<i32>} : memref<384xi32, #tpu.memory_space<vmem>>, vector<16xi32>,
    %iota3A_18 = tpu.iota {dimensions = array<i32: 0>} : vector<16xi32>
    %add3A_19 = arith.constant 32 : i32
    %add3A_20 = vector.broadcast %add3A_19 : i32 to vector<16xi32>
    %add3A_21 = arith.addi %iota3A_18, %add3A_20 : vector<16xi32>
    tpu.vector_store_idx %arg6[%add3A_21, %get3A_17], %broadcast_in_dim3A_1 {add = true} : memref<64x64xf32, #tpu.memory_space<vmem>>[vector<16xi32>, vector<16xi32>], vector<16xf32>,
    %get3A_22 = arith.constant 48 : index
    %get3A_23 = tpu.vector_load %arg5[%get3A_22] {strides = array<i32>} : memref<384xi32, #tpu.memory_space<vmem>>, vector<16xi32>,
    %iota3A_24 = tpu.iota {dimensions = array<i32: 0>} : vector<16xi32>
    %add3A_25 = arith.constant 48 : i32
    %add3A_26 = vector.broadcast %add3A_25 : i32 to vector<16xi32>
    %add3A_27 = arith.addi %iota3A_24, %add3A_26 : vector<16xi32>
    tpu.vector_store_idx %arg6[%add3A_27, %get3A_23], %broadcast_in_dim3A_1 {add = true} : memref<64x64xf32, #tpu.memory_space<vmem>>[vector<16xi32>, vector<16xi32>], vector<16xf32>,
    %get3A_28 = arith.constant 64 : index
    %get3A_29 = tpu.vector_load %arg5[%get3A_28] {strides = array<i32>} : memref<384xi32, #tpu.memory_space<vmem>>, vector<16xi32>,
    %iota3A_30 = tpu.iota {dimensions = array<i32: 0>} : vector<16xi32>
    %add3A_31 = arith.constant 0 : i32
    %add3A_32 = vector.broadcast %add3A_31 : i32 to vector<16xi32>
    %add3A_33 = arith.addi %iota3A_30, %add3A_32 : vector<16xi32>
    tpu.vector_store_idx %arg6[%add3A_33, %get3A_29], %broadcast_in_dim3A_1 {add = true} : memref<64x64xf32, #tpu.memory_space<vmem>>[vector<16xi32>, vector<16xi32>], vector<16xf32>,
    %get3A_34 = arith.constant 80 : index
    %get3A_35 = tpu.vector_load %arg5[%get3A_34] {strides = array<i32>} : memref<384xi32, #tpu.memory_space<vmem>>, vector<16xi32>,
    %iota3A_36 = tpu.iota {dimensions = array<i32: 0>} : vector<16xi32>
    %add3A_37 = arith.constant 16 : i32
    %add3A_38 = vector.broadcast %add3A_37 : i32 to vector<16xi32>
    %add3A_39 = arith.addi %iota3A_36, %add3A_38 : vector<16xi32>
    tpu.vector_store_idx %arg6[%add3A_39, %get3A_35], %broadcast_in_dim3A_1 {add = true} : memref<64x64xf32, #tpu.memory_space<vmem>>[vector<16xi32>, vector<16xi32>], vector<16xf32>,
    %get3A_40 = arith.constant 96 : index
    %get3A_41 = tpu.vector_load %arg5[%get3A_40] {strides = array<i32>} : memref<384xi32, #tpu.memory_space<vmem>>, vector<16xi32>,
    %iota3A_42 = tpu.iota {dimensions = array<i32: 0>} : vector<16xi32>
    %add3A_43 = arith.constant 32 : i32
    %add3A_44 = vector.broadcast %add3A_43 : i32 to vector<16xi32>
    %add3A_45 = arith.addi %iota3A_42, %add3A_44 : vector<16xi32>
    tpu.vector_store_idx %arg6[%add3A_45, %get3A_41], %broadcast_in_dim3A_1 {add = true} : memref<64x64xf32, #tpu.memory_space<vmem>>[vector<16xi32>, vector<16xi32>], vector<16xf32>,
    %get3A_46 = arith.constant 112 : index
    %get3A_47 = tpu.vector_load %arg5[%get3A_46] {strides = array<i32>} : memref<384xi32, #tpu.memory_space<vmem>>, vector<16xi32>,
    %iota3A_48 = tpu.iota {dimensions = array<i32: 0>} : vector<16xi32>
    %add3A_49 = arith.constant 48 : i32
    %add3A_50 = vector.broadcast %add3A_49 : i32 to vector<16xi32>
    %add3A_51 = arith.addi %iota3A_48, %add3A_50 : vector<16xi32>
    tpu.vector_store_idx %arg6[%add3A_51, %get3A_47], %broadcast_in_dim3A_1 {add = true} : memref<64x64xf32, #tpu.memory_space<vmem>>[vector<16xi32>, vector<16xi32>], vector<16xf32>,
    %get3A_52 = arith.constant 128 : index
    %get3A_53 = tpu.vector_load %arg5[%get3A_52] {strides = array<i32>} : memref<384xi32, #tpu.memory_space<vmem>>, vector<16xi32>,
    %iota3A_54 = tpu.iota {dimensions = array<i32: 0>} : vector<16xi32>
    %add3A_55 = arith.constant 0 : i32
    %add3A_56 = vector.broadcast %add3A_55 : i32 to vector<16xi32>
    %add3A_57 = arith.addi %iota3A_54, %add3A_56 : vector<16xi32>
    tpu.vector_store_idx %arg6[%add3A_57, %get3A_53], %broadcast_in_dim3A_1 {add = true} : memref<64x64xf32, #tpu.memory_space<vmem>>[vector<16xi32>, vector<16xi32>], vector<16xf32>,
    %get3A_58 = arith.constant 144 : index
    %get3A_59 = tpu.vector_load %arg5[%get3A_58] {strides = array<i32>} : memref<384xi32, #tpu.memory_space<vmem>>, vector<16xi32>,
    %iota3A_60 = tpu.iota {dimensions = array<i32: 0>} : vector<16xi32>
    %add3A_61 = arith.constant 16 : i32
    %add3A_62 = vector.broadcast %add3A_61 : i32 to vector<16xi32>
    %add3A_63 = arith.addi %iota3A_60, %add3A_62 : vector<16xi32>
    tpu.vector_store_idx %arg6[%add3A_63, %get3A_59], %broadcast_in_dim3A_1 {add = true} : memref<64x64xf32, #tpu.memory_space<vmem>>[vector<16xi32>, vector<16xi32>], vector<16xf32>,
    %get3A_64 = arith.constant 160 : index
    %get3A_65 = tpu.vector_load %arg5[%get3A_64] {strides = array<i32>} : memref<384xi32, #tpu.memory_space<vmem>>, vector<16xi32>,
    %iota3A_66 = tpu.iota {dimensions = array<i32: 0>} : vector<16xi32>
    %add3A_67 = arith.constant 32 : i32
    %add3A_68 = vector.broadcast %add3A_67 : i32 to vector<16xi32>
    %add3A_69 = arith.addi %iota3A_66, %add3A_68 : vector<16xi32>
    tpu.vector_store_idx %arg6[%add3A_69, %get3A_65], %broadcast_in_dim3A_1 {add = true} : memref<64x64xf32, #tpu.memory_space<vmem>>[vector<16xi32>, vector<16xi32>], vector<16xf32>,
    %get3A_70 = arith.constant 176 : index
    %get3A_71 = tpu.vector_load %arg5[%get3A_70] {strides = array<i32>} : memref<384xi32, #tpu.memory_space<vmem>>, vector<16xi32>,
    %iota3A_72 = tpu.iota {dimensions = array<i32: 0>} : vector<16xi32>
    %add3A_73 = arith.constant 48 : i32
    %add3A_74 = vector.broadcast %add3A_73 : i32 to vector<16xi32>
    %add3A_75 = arith.addi %iota3A_72, %add3A_74 : vector<16xi32>
    tpu.vector_store_idx %arg6[%add3A_75, %get3A_71], %broadcast_in_dim3A_1 {add = true} : memref<64x64xf32, #tpu.memory_space<vmem>>[vector<16xi32>, vector<16xi32>], vector<16xf32>,
    %get3A_76 = arith.constant 192 : index
    %get3A_77 = tpu.vector_load %arg5[%get3A_76] {strides = array<i32>} : memref<384xi32, #tpu.memory_space<vmem>>, vector<16xi32>,
    %iota3A_78 = tpu.iota {dimensions = array<i32: 0>} : vector<16xi32>
    %add3A_79 = arith.constant 0 : i32
    %add3A_80 = vector.broadcast %add3A_79 : i32 to vector<16xi32>
    %add3A_81 = arith.addi %iota3A_78, %add3A_80 : vector<16xi32>
    tpu.vector_store_idx %arg6[%add3A_81, %get3A_77], %broadcast_in_dim3A_1 {add = true} : memref<64x64xf32, #tpu.memory_space<vmem>>[vector<16xi32>, vector<16xi32>], vector<16xf32>,
    %get3A_82 = arith.constant 208 : index
    %get3A_83 = tpu.vector_load %arg5[%get3A_82] {strides = array<i32>} : memref<384xi32, #tpu.memory_space<vmem>>, vector<16xi32>,
    %iota3A_84 = tpu.iota {dimensions = array<i32: 0>} : vector<16xi32>
    %add3A_85 = arith.constant 16 : i32
    %add3A_86 = vector.broadcast %add3A_85 : i32 to vector<16xi32>
    %add3A_87 = arith.addi %iota3A_84, %add3A_86 : vector<16xi32>
    tpu.vector_store_idx %arg6[%add3A_87, %get3A_83], %broadcast_in_dim3A_1 {add = true} : memref<64x64xf32, #tpu.memory_space<vmem>>[vector<16xi32>, vector<16xi32>], vector<16xf32>,
    %get3A_88 = arith.constant 224 : index
    %get3A_89 = tpu.vector_load %arg5[%get3A_88] {strides = array<i32>} : memref<384xi32, #tpu.memory_space<vmem>>, vector<16xi32>,
    %iota3A_90 = tpu.iota {dimensions = array<i32: 0>} : vector<16xi32>
    %add3A_91 = arith.constant 32 : i32
    %add3A_92 = vector.broadcast %add3A_91 : i32 to vector<16xi32>
    %add3A_93 = arith.addi %iota3A_90, %add3A_92 : vector<16xi32>
    tpu.vector_store_idx %arg6[%add3A_93, %get3A_89], %broadcast_in_dim3A_1 {add = true} : memref<64x64xf32, #tpu.memory_space<vmem>>[vector<16xi32>, vector<16xi32>], vector<16xf32>,
    %get3A_94 = arith.constant 240 : index
    %get3A_95 = tpu.vector_load %arg5[%get3A_94] {strides = array<i32>} : memref<384xi32, #tpu.memory_space<vmem>>, vector<16xi32>,
    %iota3A_96 = tpu.iota {dimensions = array<i32: 0>} : vector<16xi32>
    %add3A_97 = arith.constant 48 : i32
    %add3A_98 = vector.broadcast %add3A_97 : i32 to vector<16xi32>
    %add3A_99 = arith.addi %iota3A_96, %add3A_98 : vector<16xi32>
    tpu.vector_store_idx %arg6[%add3A_99, %get3A_95], %broadcast_in_dim3A_1 {add = true} : memref<64x64xf32, #tpu.memory_space<vmem>>[vector<16xi32>, vector<16xi32>], vector<16xf32>,
    %get3A_100 = arith.constant 256 : index
    %get3A_101 = tpu.vector_load %arg5[%get3A_100] {strides = array<i32>} : memref<384xi32, #tpu.memory_space<vmem>>, vector<16xi32>,
    %iota3A_102 = tpu.iota {dimensions = array<i32: 0>} : vector<16xi32>
    %add3A_103 = arith.constant 0 : i32
    %add3A_104 = vector.broadcast %add3A_103 : i32 to vector<16xi32>
    %add3A_105 = arith.addi %iota3A_102, %add3A_104 : vector<16xi32>
    tpu.vector_store_idx %arg6[%add3A_105, %get3A_101], %broadcast_in_dim3A_1 {add = true} : memref<64x64xf32, #tpu.memory_space<vmem>>[vector<16xi32>, vector<16xi32>], vector<16xf32>,
    %get3A_106 = arith.constant 272 : index
    %get3A_107 = tpu.vector_load %arg5[%get3A_106] {strides = array<i32>} : memref<384xi32, #tpu.memory_space<vmem>>, vector<16xi32>,
    %iota3A_108 = tpu.iota {dimensions = array<i32: 0>} : vector<16xi32>
    %add3A_109 = arith.constant 16 : i32
    %add3A_110 = vector.broadcast %add3A_109 : i32 to vector<16xi32>
    %add3A_111 = arith.addi %iota3A_108, %add3A_110 : vector<16xi32>
    tpu.vector_store_idx %arg6[%add3A_111, %get3A_107], %broadcast_in_dim3A_1 {add = true} : memref<64x64xf32, #tpu.memory_space<vmem>>[vector<16xi32>, vector<16xi32>], vector<16xf32>,
    %get3A_112 = arith.constant 288 : index
    %get3A_113 = tpu.vector_load %arg5[%get3A_112] {strides = array<i32>} : memref<384xi32, #tpu.memory_space<vmem>>, vector<16xi32>,
    %iota3A_114 = tpu.iota {dimensions = array<i32: 0>} : vector<16xi32>
    %add3A_115 = arith.constant 32 : i32
    %add3A_116 = vector.broadcast %add3A_115 : i32 to vector<16xi32>
    %add3A_117 = arith.addi %iota3A_114, %add3A_116 : vector<16xi32>
    tpu.vector_store_idx %arg6[%add3A_117, %get3A_113], %broadcast_in_dim3A_1 {add = true} : memref<64x64xf32, #tpu.memory_space<vmem>>[vector<16xi32>, vector<16xi32>], vector<16xf32>,
    %get3A_118 = arith.constant 304 : index
    %get3A_119 = tpu.vector_load %arg5[%get3A_118] {strides = array<i32>} : memref<384xi32, #tpu.memory_space<vmem>>, vector<16xi32>,
    %iota3A_120 = tpu.iota {dimensions = array<i32: 0>} : vector<16xi32>
    %add3A_121 = arith.constant 48 : i32
    %add3A_122 = vector.broadcast %add3A_121 : i32 to vector<16xi32>
    %add3A_123 = arith.addi %iota3A_120, %add3A_122 : vector<16xi32>
    tpu.vector_store_idx %arg6[%add3A_123, %get3A_119], %broadcast_in_dim3A_1 {add = true} : memref<64x64xf32, #tpu.memory_space<vmem>>[vector<16xi32>, vector<16xi32>], vector<16xf32>,
    %get3A_124 = arith.constant 320 : index
    %get3A_125 = tpu.vector_load %arg5[%get3A_124] {strides = array<i32>} : memref<384xi32, #tpu.memory_space<vmem>>, vector<16xi32>,
    %iota3A_126 = tpu.iota {dimensions = array<i32: 0>} : vector<16xi32>
    %add3A_127 = arith.constant 0 : i32
    %add3A_128 = vector.broadcast %add3A_127 : i32 to vector<16xi32>
    %add3A_129 = arith.addi %iota3A_126, %add3A_128 : vector<16xi32>
    tpu.vector_store_idx %arg6[%add3A_129, %get3A_125], %broadcast_in_dim3A_1 {add = true} : memref<64x64xf32, #tpu.memory_space<vmem>>[vector<16xi32>, vector<16xi32>], vector<16xf32>,
    %get3A_130 = arith.constant 336 : index
    %get3A_131 = tpu.vector_load %arg5[%get3A_130] {strides = array<i32>} : memref<384xi32, #tpu.memory_space<vmem>>, vector<16xi32>,
    %iota3A_132 = tpu.iota {dimensions = array<i32: 0>} : vector<16xi32>
    %add3A_133 = arith.constant 16 : i32
    %add3A_134 = vector.broadcast %add3A_133 : i32 to vector<16xi32>
    %add3A_135 = arith.addi %iota3A_132, %add3A_134 : vector<16xi32>
    tpu.vector_store_idx %arg6[%add3A_135, %get3A_131], %broadcast_in_dim3A_1 {add = true} : memref<64x64xf32, #tpu.memory_space<vmem>>[vector<16xi32>, vector<16xi32>], vector<16xf32>,
    %get3A_136 = arith.constant 352 : index
    %get3A_137 = tpu.vector_load %arg5[%get3A_136] {strides = array<i32>} : memref<384xi32, #tpu.memory_space<vmem>>, vector<16xi32>,
    %iota3A_138 = tpu.iota {dimensions = array<i32: 0>} : vector<16xi32>
    %add3A_139 = arith.constant 32 : i32
    %add3A_140 = vector.broadcast %add3A_139 : i32 to vector<16xi32>
    %add3A_141 = arith.addi %iota3A_138, %add3A_140 : vector<16xi32>
    tpu.vector_store_idx %arg6[%add3A_141, %get3A_137], %broadcast_in_dim3A_1 {add = true} : memref<64x64xf32, #tpu.memory_space<vmem>>[vector<16xi32>, vector<16xi32>], vector<16xf32>,
    %get3A_142 = arith.constant 368 : index
    %get3A_143 = tpu.vector_load %arg5[%get3A_142] {strides = array<i32>} : memref<384xi32, #tpu.memory_space<vmem>>, vector<16xi32>,
    %iota3A_144 = tpu.iota {dimensions = array<i32: 0>} : vector<16xi32>
    %add3A_145 = arith.constant 48 : i32
    %add3A_146 = vector.broadcast %add3A_145 : i32 to vector<16xi32>
    %add3A_147 = arith.addi %iota3A_144, %add3A_146 : vector<16xi32>
    tpu.vector_store_idx %arg6[%add3A_147, %get3A_143], %broadcast_in_dim3A_1 {add = true} : memref<64x64xf32, #tpu.memory_space<vmem>>[vector<16xi32>, vector<16xi32>], vector<16xf32>,
    "tpu.region"() ({
      %run_scoped3A = tpu.sem_alloc : memref<!tpu.dma_semaphore, #tpu.memory_space<semaphore_mem>>
      %dma_start3A = arith.constant 0 : i32
      %dma_start3A_296 = arith.constant 0 : i32
      %dma_start3A_297 = tpu.memref_slice %arg4[%add3A_5, %dma_start3A, %dma_start3A_296] : memref<64x64x64xf32, #tpu.memory_space<hbm>> -> memref<1x64x64xf32, #tpu.memory_space<hbm>>
      %dma_start3A_298 = tpu.memref_squeeze %dma_start3A_297 : memref<1x64x64xf32, #tpu.memory_space<hbm>> -> memref<64x64xf32, #tpu.memory_space<hbm>>
      %dma_start3A_299 = arith.constant 0 : i32
      %dma_start3A_300 = arith.constant 0 : i32
      %dma_start3A_301 = tpu.memref_slice %arg4[%add3A_5, %dma_start3A_299, %dma_start3A_300] : memref<64x64x64xf32, #tpu.memory_space<hbm>> -> memref<1x64x64xf32, #tpu.memory_space<hbm>>
      %dma_start3A_302 = tpu.memref_squeeze %dma_start3A_301 : memref<1x64x64xf32, #tpu.memory_space<hbm>> -> memref<64x64xf32, #tpu.memory_space<hbm>>
      tpu.enqueue_dma source(%arg6 : memref<64x64xf32, #tpu.memory_space<vmem>>) target(%dma_start3A_302 : memref<64x64xf32, #tpu.memory_space<hbm>>) target_semaphore(%run_scoped3A : memref<!tpu.dma_semaphore, #tpu.memory_space<semaphore_mem>>)
      %dma_wait3A = arith.constant 0 : i32
      %dma_wait3A_303 = arith.constant 0 : i32
      %dma_wait3A_304 = tpu.memref_slice %arg4[%add3A_5, %dma_wait3A, %dma_wait3A_303] : memref<64x64x64xf32, #tpu.memory_space<hbm>> -> memref<1x64x64xf32, #tpu.memory_space<hbm>>
      %dma_wait3A_305 = tpu.memref_squeeze %dma_wait3A_304 : memref<1x64x64xf32, #tpu.memory_space<hbm>> -> memref<64x64xf32, #tpu.memory_space<hbm>>
      %dma_wait3A_306 = arith.constant 0 : i32
      %dma_wait3A_307 = arith.constant 0 : i32
      %dma_wait3A_308 = tpu.memref_slice %arg4[%add3A_5, %dma_wait3A_306, %dma_wait3A_307] : memref<64x64x64xf32, #tpu.memory_space<hbm>> -> memref<1x64x64xf32, #tpu.memory_space<hbm>>
      %dma_wait3A_309 = tpu.memref_squeeze %dma_wait3A_308 : memref<1x64x64xf32, #tpu.memory_space<hbm>> -> memref<64x64xf32, #tpu.memory_space<hbm>>
      tpu.wait_dma2 semaphore(%run_scoped3A : memref<!tpu.dma_semaphore, #tpu.memory_space<semaphore_mem>>) src(%arg6 : memref<64x64xf32, #tpu.memory_space<vmem>>) dst(%dma_wait3A_309 : memref<64x64xf32, #tpu.memory_space<hbm>>)
      tpu.yield
    }) : () -> ()
    %mul3A_148 = arith.constant 2 : i32
    %mul3A_149 = arith.muli %add3A, %mul3A_148 : i32
    %add3A_150 = arith.constant 1 : i32
    %add3A_151 = arith.addi %mul3A_149, %add3A_150 : i32
    "tpu.region"() ({
      %run_scoped3A = tpu.sem_alloc : memref<!tpu.dma_semaphore, #tpu.memory_space<semaphore_mem>>
      %dma_start3A = arith.constant 0 : i32
      %dma_start3A_296 = tpu.memref_slice %arg2[%add3A_151, %dma_start3A] : memref<64x384xi32, #tpu.memory_space<hbm>> -> memref<1x384xi32, #tpu.memory_space<hbm>>
      %dma_start3A_297 = tpu.memref_squeeze %dma_start3A_296 : memref<1x384xi32, #tpu.memory_space<hbm>> -> memref<384xi32, #tpu.memory_space<hbm>>
      %dma_start3A_298 = arith.constant 0 : i32
      %dma_start3A_299 = tpu.memref_slice %arg2[%add3A_151, %dma_start3A_298] : memref<64x384xi32, #tpu.memory_space<hbm>> -> memref<1x384xi32, #tpu.memory_space<hbm>>
      %dma_start3A_300 = tpu.memref_squeeze %dma_start3A_299 : memref<1x384xi32, #tpu.memory_space<hbm>> -> memref<384xi32, #tpu.memory_space<hbm>>
      tpu.enqueue_dma source(%dma_start3A_300 : memref<384xi32, #tpu.memory_space<hbm>>) target(%arg5 : memref<384xi32, #tpu.memory_space<vmem>>) target_semaphore(%run_scoped3A : memref<!tpu.dma_semaphore, #tpu.memory_space<semaphore_mem>>)
      %dma_wait3A = arith.constant 0 : i32
      %dma_wait3A_301 = tpu.memref_slice %arg2[%add3A_151, %dma_wait3A] : memref<64x384xi32, #tpu.memory_space<hbm>> -> memref<1x384xi32, #tpu.memory_space<hbm>>
      %dma_wait3A_302 = tpu.memref_squeeze %dma_wait3A_301 : memref<1x384xi32, #tpu.memory_space<hbm>> -> memref<384xi32, #tpu.memory_space<hbm>>
      %dma_wait3A_303 = arith.constant 0 : i32
      %dma_wait3A_304 = tpu.memref_slice %arg2[%add3A_151, %dma_wait3A_303] : memref<64x384xi32, #tpu.memory_space<hbm>> -> memref<1x384xi32, #tpu.memory_space<hbm>>
      %dma_wait3A_305 = tpu.memref_squeeze %dma_wait3A_304 : memref<1x384xi32, #tpu.memory_space<hbm>> -> memref<384xi32, #tpu.memory_space<hbm>>
      tpu.wait_dma2 semaphore(%run_scoped3A : memref<!tpu.dma_semaphore, #tpu.memory_space<semaphore_mem>>) src(%dma_wait3A_305 : memref<384xi32, #tpu.memory_space<hbm>>) dst(%arg5 : memref<384xi32, #tpu.memory_space<vmem>>)
      tpu.yield
    }) : () -> ()
    "tpu.region"() ({
      %run_scoped3A = tpu.sem_alloc : memref<!tpu.dma_semaphore, #tpu.memory_space<semaphore_mem>>
      tpu.enqueue_dma source(%arg3 : memref<64x64xf32, #tpu.memory_space<hbm>>) target(%arg6 : memref<64x64xf32, #tpu.memory_space<vmem>>) target_semaphore(%run_scoped3A : memref<!tpu.dma_semaphore, #tpu.memory_space<semaphore_mem>>)
      tpu.wait_dma2 semaphore(%run_scoped3A : memref<!tpu.dma_semaphore, #tpu.memory_space<semaphore_mem>>) src(%arg3 : memref<64x64xf32, #tpu.memory_space<hbm>>) dst(%arg6 : memref<64x64xf32, #tpu.memory_space<vmem>>)
      tpu.yield
    }) : () -> ()
    %get3A_152 = arith.constant 0 : index
    %get3A_153 = tpu.vector_load %arg5[%get3A_152] {strides = array<i32>} : memref<384xi32, #tpu.memory_space<vmem>>, vector<16xi32>,
    %iota3A_154 = tpu.iota {dimensions = array<i32: 0>} : vector<16xi32>
    %add3A_155 = arith.constant 0 : i32
    %add3A_156 = vector.broadcast %add3A_155 : i32 to vector<16xi32>
    %add3A_157 = arith.addi %iota3A_154, %add3A_156 : vector<16xi32>
    tpu.vector_store_idx %arg6[%add3A_157, %get3A_153], %broadcast_in_dim3A_1 {add = true} : memref<64x64xf32, #tpu.memory_space<vmem>>[vector<16xi32>, vector<16xi32>], vector<16xf32>,
    %get3A_158 = arith.constant 16 : index
    %get3A_159 = tpu.vector_load %arg5[%get3A_158] {strides = array<i32>} : memref<384xi32, #tpu.memory_space<vmem>>, vector<16xi32>,
    %iota3A_160 = tpu.iota {dimensions = array<i32: 0>} : vector<16xi32>
    %add3A_161 = arith.constant 16 : i32
    %add3A_162 = vector.broadcast %add3A_161 : i32 to vector<16xi32>
    %add3A_163 = arith.addi %iota3A_160, %add3A_162 : vector<16xi32>
    tpu.vector_store_idx %arg6[%add3A_163, %get3A_159], %broadcast_in_dim3A_1 {add = true} : memref<64x64xf32, #tpu.memory_space<vmem>>[vector<16xi32>, vector<16xi32>], vector<16xf32>,
    %get3A_164 = arith.constant 32 : index
    %get3A_165 = tpu.vector_load %arg5[%get3A_164] {strides = array<i32>} : memref<384xi32, #tpu.memory_space<vmem>>, vector<16xi32>,
    %iota3A_166 = tpu.iota {dimensions = array<i32: 0>} : vector<16xi32>
    %add3A_167 = arith.constant 32 : i32
    %add3A_168 = vector.broadcast %add3A_167 : i32 to vector<16xi32>
    %add3A_169 = arith.addi %iota3A_166, %add3A_168 : vector<16xi32>
    tpu.vector_store_idx %arg6[%add3A_169, %get3A_165], %broadcast_in_dim3A_1 {add = true} : memref<64x64xf32, #tpu.memory_space<vmem>>[vector<16xi32>, vector<16xi32>], vector<16xf32>,
    %get3A_170 = arith.constant 48 : index
    %get3A_171 = tpu.vector_load %arg5[%get3A_170] {strides = array<i32>} : memref<384xi32, #tpu.memory_space<vmem>>, vector<16xi32>,
    %iota3A_172 = tpu.iota {dimensions = array<i32: 0>} : vector<16xi32>
    %add3A_173 = arith.constant 48 : i32
    %add3A_174 = vector.broadcast %add3A_173 : i32 to vector<16xi32>
    %add3A_175 = arith.addi %iota3A_172, %add3A_174 : vector<16xi32>
    tpu.vector_store_idx %arg6[%add3A_175, %get3A_171], %broadcast_in_dim3A_1 {add = true} : memref<64x64xf32, #tpu.memory_space<vmem>>[vector<16xi32>, vector<16xi32>], vector<16xf32>,
    %get3A_176 = arith.constant 64 : index
    %get3A_177 = tpu.vector_load %arg5[%get3A_176] {strides = array<i32>} : memref<384xi32, #tpu.memory_space<vmem>>, vector<16xi32>,
    %iota3A_178 = tpu.iota {dimensions = array<i32: 0>} : vector<16xi32>
    %add3A_179 = arith.constant 0 : i32
    %add3A_180 = vector.broadcast %add3A_179 : i32 to vector<16xi32>
    %add3A_181 = arith.addi %iota3A_178, %add3A_180 : vector<16xi32>
    tpu.vector_store_idx %arg6[%add3A_181, %get3A_177], %broadcast_in_dim3A_1 {add = true} : memref<64x64xf32, #tpu.memory_space<vmem>>[vector<16xi32>, vector<16xi32>], vector<16xf32>,
    %get3A_182 = arith.constant 80 : index
    %get3A_183 = tpu.vector_load %arg5[%get3A_182] {strides = array<i32>} : memref<384xi32, #tpu.memory_space<vmem>>, vector<16xi32>,
    %iota3A_184 = tpu.iota {dimensions = array<i32: 0>} : vector<16xi32>
    %add3A_185 = arith.constant 16 : i32
    %add3A_186 = vector.broadcast %add3A_185 : i32 to vector<16xi32>
    %add3A_187 = arith.addi %iota3A_184, %add3A_186 : vector<16xi32>
    tpu.vector_store_idx %arg6[%add3A_187, %get3A_183], %broadcast_in_dim3A_1 {add = true} : memref<64x64xf32, #tpu.memory_space<vmem>>[vector<16xi32>, vector<16xi32>], vector<16xf32>,
    %get3A_188 = arith.constant 96 : index
    %get3A_189 = tpu.vector_load %arg5[%get3A_188] {strides = array<i32>} : memref<384xi32, #tpu.memory_space<vmem>>, vector<16xi32>,
    %iota3A_190 = tpu.iota {dimensions = array<i32: 0>} : vector<16xi32>
    %add3A_191 = arith.constant 32 : i32
    %add3A_192 = vector.broadcast %add3A_191 : i32 to vector<16xi32>
    %add3A_193 = arith.addi %iota3A_190, %add3A_192 : vector<16xi32>
    tpu.vector_store_idx %arg6[%add3A_193, %get3A_189], %broadcast_in_dim3A_1 {add = true} : memref<64x64xf32, #tpu.memory_space<vmem>>[vector<16xi32>, vector<16xi32>], vector<16xf32>,
    %get3A_194 = arith.constant 112 : index
    %get3A_195 = tpu.vector_load %arg5[%get3A_194] {strides = array<i32>} : memref<384xi32, #tpu.memory_space<vmem>>, vector<16xi32>,
    %iota3A_196 = tpu.iota {dimensions = array<i32: 0>} : vector<16xi32>
    %add3A_197 = arith.constant 48 : i32
    %add3A_198 = vector.broadcast %add3A_197 : i32 to vector<16xi32>
    %add3A_199 = arith.addi %iota3A_196, %add3A_198 : vector<16xi32>
    tpu.vector_store_idx %arg6[%add3A_199, %get3A_195], %broadcast_in_dim3A_1 {add = true} : memref<64x64xf32, #tpu.memory_space<vmem>>[vector<16xi32>, vector<16xi32>], vector<16xf32>,
    %get3A_200 = arith.constant 128 : index
    %get3A_201 = tpu.vector_load %arg5[%get3A_200] {strides = array<i32>} : memref<384xi32, #tpu.memory_space<vmem>>, vector<16xi32>,
    %iota3A_202 = tpu.iota {dimensions = array<i32: 0>} : vector<16xi32>
    %add3A_203 = arith.constant 0 : i32
    %add3A_204 = vector.broadcast %add3A_203 : i32 to vector<16xi32>
    %add3A_205 = arith.addi %iota3A_202, %add3A_204 : vector<16xi32>
    tpu.vector_store_idx %arg6[%add3A_205, %get3A_201], %broadcast_in_dim3A_1 {add = true} : memref<64x64xf32, #tpu.memory_space<vmem>>[vector<16xi32>, vector<16xi32>], vector<16xf32>,
    %get3A_206 = arith.constant 144 : index
    %get3A_207 = tpu.vector_load %arg5[%get3A_206] {strides = array<i32>} : memref<384xi32, #tpu.memory_space<vmem>>, vector<16xi32>,
    %iota3A_208 = tpu.iota {dimensions = array<i32: 0>} : vector<16xi32>
    %add3A_209 = arith.constant 16 : i32
    %add3A_210 = vector.broadcast %add3A_209 : i32 to vector<16xi32>
    %add3A_211 = arith.addi %iota3A_208, %add3A_210 : vector<16xi32>
    tpu.vector_store_idx %arg6[%add3A_211, %get3A_207], %broadcast_in_dim3A_1 {add = true} : memref<64x64xf32, #tpu.memory_space<vmem>>[vector<16xi32>, vector<16xi32>], vector<16xf32>,
    %get3A_212 = arith.constant 160 : index
    %get3A_213 = tpu.vector_load %arg5[%get3A_212] {strides = array<i32>} : memref<384xi32, #tpu.memory_space<vmem>>, vector<16xi32>,
    %iota3A_214 = tpu.iota {dimensions = array<i32: 0>} : vector<16xi32>
    %add3A_215 = arith.constant 32 : i32
    %add3A_216 = vector.broadcast %add3A_215 : i32 to vector<16xi32>
    %add3A_217 = arith.addi %iota3A_214, %add3A_216 : vector<16xi32>
    tpu.vector_store_idx %arg6[%add3A_217, %get3A_213], %broadcast_in_dim3A_1 {add = true} : memref<64x64xf32, #tpu.memory_space<vmem>>[vector<16xi32>, vector<16xi32>], vector<16xf32>,
    %get3A_218 = arith.constant 176 : index
    %get3A_219 = tpu.vector_load %arg5[%get3A_218] {strides = array<i32>} : memref<384xi32, #tpu.memory_space<vmem>>, vector<16xi32>,
    %iota3A_220 = tpu.iota {dimensions = array<i32: 0>} : vector<16xi32>
    %add3A_221 = arith.constant 48 : i32
    %add3A_222 = vector.broadcast %add3A_221 : i32 to vector<16xi32>
    %add3A_223 = arith.addi %iota3A_220, %add3A_222 : vector<16xi32>
    tpu.vector_store_idx %arg6[%add3A_223, %get3A_219], %broadcast_in_dim3A_1 {add = true} : memref<64x64xf32, #tpu.memory_space<vmem>>[vector<16xi32>, vector<16xi32>], vector<16xf32>,
    %get3A_224 = arith.constant 192 : index
    %get3A_225 = tpu.vector_load %arg5[%get3A_224] {strides = array<i32>} : memref<384xi32, #tpu.memory_space<vmem>>, vector<16xi32>,
    %iota3A_226 = tpu.iota {dimensions = array<i32: 0>} : vector<16xi32>
    %add3A_227 = arith.constant 0 : i32
    %add3A_228 = vector.broadcast %add3A_227 : i32 to vector<16xi32>
    %add3A_229 = arith.addi %iota3A_226, %add3A_228 : vector<16xi32>
    tpu.vector_store_idx %arg6[%add3A_229, %get3A_225], %broadcast_in_dim3A_1 {add = true} : memref<64x64xf32, #tpu.memory_space<vmem>>[vector<16xi32>, vector<16xi32>], vector<16xf32>,
    %get3A_230 = arith.constant 208 : index
    %get3A_231 = tpu.vector_load %arg5[%get3A_230] {strides = array<i32>} : memref<384xi32, #tpu.memory_space<vmem>>, vector<16xi32>,
    %iota3A_232 = tpu.iota {dimensions = array<i32: 0>} : vector<16xi32>
    %add3A_233 = arith.constant 16 : i32
    %add3A_234 = vector.broadcast %add3A_233 : i32 to vector<16xi32>
    %add3A_235 = arith.addi %iota3A_232, %add3A_234 : vector<16xi32>
    tpu.vector_store_idx %arg6[%add3A_235, %get3A_231], %broadcast_in_dim3A_1 {add = true} : memref<64x64xf32, #tpu.memory_space<vmem>>[vector<16xi32>, vector<16xi32>], vector<16xf32>,
    %get3A_236 = arith.constant 224 : index
    %get3A_237 = tpu.vector_load %arg5[%get3A_236] {strides = array<i32>} : memref<384xi32, #tpu.memory_space<vmem>>, vector<16xi32>,
    %iota3A_238 = tpu.iota {dimensions = array<i32: 0>} : vector<16xi32>
    %add3A_239 = arith.constant 32 : i32
    %add3A_240 = vector.broadcast %add3A_239 : i32 to vector<16xi32>
    %add3A_241 = arith.addi %iota3A_238, %add3A_240 : vector<16xi32>
    tpu.vector_store_idx %arg6[%add3A_241, %get3A_237], %broadcast_in_dim3A_1 {add = true} : memref<64x64xf32, #tpu.memory_space<vmem>>[vector<16xi32>, vector<16xi32>], vector<16xf32>,
    %get3A_242 = arith.constant 240 : index
    %get3A_243 = tpu.vector_load %arg5[%get3A_242] {strides = array<i32>} : memref<384xi32, #tpu.memory_space<vmem>>, vector<16xi32>,
    %iota3A_244 = tpu.iota {dimensions = array<i32: 0>} : vector<16xi32>
    %add3A_245 = arith.constant 48 : i32
    %add3A_246 = vector.broadcast %add3A_245 : i32 to vector<16xi32>
    %add3A_247 = arith.addi %iota3A_244, %add3A_246 : vector<16xi32>
    tpu.vector_store_idx %arg6[%add3A_247, %get3A_243], %broadcast_in_dim3A_1 {add = true} : memref<64x64xf32, #tpu.memory_space<vmem>>[vector<16xi32>, vector<16xi32>], vector<16xf32>,
    %get3A_248 = arith.constant 256 : index
    %get3A_249 = tpu.vector_load %arg5[%get3A_248] {strides = array<i32>} : memref<384xi32, #tpu.memory_space<vmem>>, vector<16xi32>,
    %iota3A_250 = tpu.iota {dimensions = array<i32: 0>} : vector<16xi32>
    %add3A_251 = arith.constant 0 : i32
    %add3A_252 = vector.broadcast %add3A_251 : i32 to vector<16xi32>
    %add3A_253 = arith.addi %iota3A_250, %add3A_252 : vector<16xi32>
    tpu.vector_store_idx %arg6[%add3A_253, %get3A_249], %broadcast_in_dim3A_1 {add = true} : memref<64x64xf32, #tpu.memory_space<vmem>>[vector<16xi32>, vector<16xi32>], vector<16xf32>,
    %get3A_254 = arith.constant 272 : index
    %get3A_255 = tpu.vector_load %arg5[%get3A_254] {strides = array<i32>} : memref<384xi32, #tpu.memory_space<vmem>>, vector<16xi32>,
    %iota3A_256 = tpu.iota {dimensions = array<i32: 0>} : vector<16xi32>
    %add3A_257 = arith.constant 16 : i32
    %add3A_258 = vector.broadcast %add3A_257 : i32 to vector<16xi32>
    %add3A_259 = arith.addi %iota3A_256, %add3A_258 : vector<16xi32>
    tpu.vector_store_idx %arg6[%add3A_259, %get3A_255], %broadcast_in_dim3A_1 {add = true} : memref<64x64xf32, #tpu.memory_space<vmem>>[vector<16xi32>, vector<16xi32>], vector<16xf32>,
    %get3A_260 = arith.constant 288 : index
    %get3A_261 = tpu.vector_load %arg5[%get3A_260] {strides = array<i32>} : memref<384xi32, #tpu.memory_space<vmem>>, vector<16xi32>,
    %iota3A_262 = tpu.iota {dimensions = array<i32: 0>} : vector<16xi32>
    %add3A_263 = arith.constant 32 : i32
    %add3A_264 = vector.broadcast %add3A_263 : i32 to vector<16xi32>
    %add3A_265 = arith.addi %iota3A_262, %add3A_264 : vector<16xi32>
    tpu.vector_store_idx %arg6[%add3A_265, %get3A_261], %broadcast_in_dim3A_1 {add = true} : memref<64x64xf32, #tpu.memory_space<vmem>>[vector<16xi32>, vector<16xi32>], vector<16xf32>,
    %get3A_266 = arith.constant 304 : index
    %get3A_267 = tpu.vector_load %arg5[%get3A_266] {strides = array<i32>} : memref<384xi32, #tpu.memory_space<vmem>>, vector<16xi32>,
    %iota3A_268 = tpu.iota {dimensions = array<i32: 0>} : vector<16xi32>
    %add3A_269 = arith.constant 48 : i32
    %add3A_270 = vector.broadcast %add3A_269 : i32 to vector<16xi32>
    %add3A_271 = arith.addi %iota3A_268, %add3A_270 : vector<16xi32>
    tpu.vector_store_idx %arg6[%add3A_271, %get3A_267], %broadcast_in_dim3A_1 {add = true} : memref<64x64xf32, #tpu.memory_space<vmem>>[vector<16xi32>, vector<16xi32>], vector<16xf32>,
    %get3A_272 = arith.constant 320 : index
    %get3A_273 = tpu.vector_load %arg5[%get3A_272] {strides = array<i32>} : memref<384xi32, #tpu.memory_space<vmem>>, vector<16xi32>,
    %iota3A_274 = tpu.iota {dimensions = array<i32: 0>} : vector<16xi32>
    %add3A_275 = arith.constant 0 : i32
    %add3A_276 = vector.broadcast %add3A_275 : i32 to vector<16xi32>
    %add3A_277 = arith.addi %iota3A_274, %add3A_276 : vector<16xi32>
    tpu.vector_store_idx %arg6[%add3A_277, %get3A_273], %broadcast_in_dim3A_1 {add = true} : memref<64x64xf32, #tpu.memory_space<vmem>>[vector<16xi32>, vector<16xi32>], vector<16xf32>,
    %get3A_278 = arith.constant 336 : index
    %get3A_279 = tpu.vector_load %arg5[%get3A_278] {strides = array<i32>} : memref<384xi32, #tpu.memory_space<vmem>>, vector<16xi32>,
    %iota3A_280 = tpu.iota {dimensions = array<i32: 0>} : vector<16xi32>
    %add3A_281 = arith.constant 16 : i32
    %add3A_282 = vector.broadcast %add3A_281 : i32 to vector<16xi32>
    %add3A_283 = arith.addi %iota3A_280, %add3A_282 : vector<16xi32>
    tpu.vector_store_idx %arg6[%add3A_283, %get3A_279], %broadcast_in_dim3A_1 {add = true} : memref<64x64xf32, #tpu.memory_space<vmem>>[vector<16xi32>, vector<16xi32>], vector<16xf32>,
    %get3A_284 = arith.constant 352 : index
    %get3A_285 = tpu.vector_load %arg5[%get3A_284] {strides = array<i32>} : memref<384xi32, #tpu.memory_space<vmem>>, vector<16xi32>,
    %iota3A_286 = tpu.iota {dimensions = array<i32: 0>} : vector<16xi32>
    %add3A_287 = arith.constant 32 : i32
    %add3A_288 = vector.broadcast %add3A_287 : i32 to vector<16xi32>
    %add3A_289 = arith.addi %iota3A_286, %add3A_288 : vector<16xi32>
    tpu.vector_store_idx %arg6[%add3A_289, %get3A_285], %broadcast_in_dim3A_1 {add = true} : memref<64x64xf32, #tpu.memory_space<vmem>>[vector<16xi32>, vector<16xi32>], vector<16xf32>,
    %get3A_290 = arith.constant 368 : index
    %get3A_291 = tpu.vector_load %arg5[%get3A_290] {strides = array<i32>} : memref<384xi32, #tpu.memory_space<vmem>>, vector<16xi32>,
    %iota3A_292 = tpu.iota {dimensions = array<i32: 0>} : vector<16xi32>
    %add3A_293 = arith.constant 48 : i32
    %add3A_294 = vector.broadcast %add3A_293 : i32 to vector<16xi32>
    %add3A_295 = arith.addi %iota3A_292, %add3A_294 : vector<16xi32>
    tpu.vector_store_idx %arg6[%add3A_295, %get3A_291], %broadcast_in_dim3A_1 {add = true} : memref<64x64xf32, #tpu.memory_space<vmem>>[vector<16xi32>, vector<16xi32>], vector<16xf32>,
    "tpu.region"() ({
      %run_scoped3A = tpu.sem_alloc : memref<!tpu.dma_semaphore, #tpu.memory_space<semaphore_mem>>
      %dma_start3A = arith.constant 0 : i32
      %dma_start3A_296 = arith.constant 0 : i32
      %dma_start3A_297 = tpu.memref_slice %arg4[%add3A_151, %dma_start3A, %dma_start3A_296] : memref<64x64x64xf32, #tpu.memory_space<hbm>> -> memref<1x64x64xf32, #tpu.memory_space<hbm>>
      %dma_start3A_298 = tpu.memref_squeeze %dma_start3A_297 : memref<1x64x64xf32, #tpu.memory_space<hbm>> -> memref<64x64xf32, #tpu.memory_space<hbm>>
      %dma_start3A_299 = arith.constant 0 : i32
      %dma_start3A_300 = arith.constant 0 : i32
      %dma_start3A_301 = tpu.memref_slice %arg4[%add3A_151, %dma_start3A_299, %dma_start3A_300] : memref<64x64x64xf32, #tpu.memory_space<hbm>> -> memref<1x64x64xf32, #tpu.memory_space<hbm>>
      %dma_start3A_302 = tpu.memref_squeeze %dma_start3A_301 : memref<1x64x64xf32, #tpu.memory_space<hbm>> -> memref<64x64xf32, #tpu.memory_space<hbm>>
      tpu.enqueue_dma source(%arg6 : memref<64x64xf32, #tpu.memory_space<vmem>>) target(%dma_start3A_302 : memref<64x64xf32, #tpu.memory_space<hbm>>) target_semaphore(%run_scoped3A : memref<!tpu.dma_semaphore, #tpu.memory_space<semaphore_mem>>)
      %dma_wait3A = arith.constant 0 : i32
      %dma_wait3A_303 = arith.constant 0 : i32
      %dma_wait3A_304 = tpu.memref_slice %arg4[%add3A_151, %dma_wait3A, %dma_wait3A_303] : memref<64x64x64xf32, #tpu.memory_space<hbm>> -> memref<1x64x64xf32, #tpu.memory_space<hbm>>
      %dma_wait3A_305 = tpu.memref_squeeze %dma_wait3A_304 : memref<1x64x64xf32, #tpu.memory_space<hbm>> -> memref<64x64xf32, #tpu.memory_space<hbm>>
      %dma_wait3A_306 = arith.constant 0 : i32
      %dma_wait3A_307 = arith.constant 0 : i32
      %dma_wait3A_308 = tpu.memref_slice %arg4[%add3A_151, %dma_wait3A_306, %dma_wait3A_307] : memref<64x64x64xf32, #tpu.memory_space<hbm>> -> memref<1x64x64xf32, #tpu.memory_space<hbm>>
      %dma_wait3A_309 = tpu.memref_squeeze %dma_wait3A_308 : memref<1x64x64xf32, #tpu.memory_space<hbm>> -> memref<64x64xf32, #tpu.memory_space<hbm>>
      tpu.wait_dma2 semaphore(%run_scoped3A : memref<!tpu.dma_semaphore, #tpu.memory_space<semaphore_mem>>) src(%arg6 : memref<64x64xf32, #tpu.memory_space<vmem>>) dst(%dma_wait3A_309 : memref<64x64xf32, #tpu.memory_space<hbm>>)
      tpu.yield
    }) : () -> ()
    return
  }
}

module attributes {stable_mosaic.version = 14 : i64} {
  func.func @_protein_body(%arg0: i32, %arg1: memref<4x512x480xf32, #tpu.memory_space<vmem>>, %arg2: memref<4x512x512xf32, #tpu.memory_space<vmem>>, %arg3: memref<480x200xf32, #tpu.memory_space<vmem>>, %arg4: memref<200xf32, #tpu.memory_space<vmem>>, %arg5: memref<200x100xf32, #tpu.memory_space<vmem>>, %arg6: memref<100xf32, #tpu.memory_space<vmem>>, %arg7: memref<100x128xf32, #tpu.memory_space<vmem>>, %arg8: memref<128xf32, #tpu.memory_space<vmem>>, %arg9: memref<4x1x128xf32, #tpu.memory_space<vmem>>) attributes {dimension_semantics = [#tpu.dimension_semantics<arbitrary>], iteration_bounds = array<i64: 16>, scalar_prefetch = 0 : i64, scratch_operands = 0 : i64, tpu.core_type = #tpu.core_type<tc>, window_params = [{transform_indices = @transform_0, window_bounds = array<i64: 4, 512, 480>}, {transform_indices = @transform_1, window_bounds = array<i64: 4, 512, 512>}, {pipeline_mode = #tpu.pipeline_mode<synchronous>, transform_indices = @transform_2, window_bounds = array<i64: 480, 200>}, {pipeline_mode = #tpu.pipeline_mode<synchronous>, transform_indices = @transform_3, window_bounds = array<i64: 200>}, {pipeline_mode = #tpu.pipeline_mode<synchronous>, transform_indices = @transform_4, window_bounds = array<i64: 200, 100>}, {pipeline_mode = #tpu.pipeline_mode<synchronous>, transform_indices = @transform_5, window_bounds = array<i64: 100>}, {pipeline_mode = #tpu.pipeline_mode<synchronous>, transform_indices = @transform_6, window_bounds = array<i64: 100, 128>}, {pipeline_mode = #tpu.pipeline_mode<synchronous>, transform_indices = @transform_7, window_bounds = array<i64: 128>}, {transform_indices = @transform_8, window_bounds = array<i64: 4, 1, 128>}]} {
    %get3A = arith.constant 0 : index
    %get3A_0 = arith.constant 0 : index
    %get3A_1 = arith.constant 0 : index
    %get3A_2 = vector.load %arg1[%get3A, %get3A_0, %get3A_1] : memref<4x512x480xf32, #tpu.memory_space<vmem>>, vector<1x512x480xf32>
    %get3A_3 = vector.shape_cast %get3A_2 : vector<1x512x480xf32> to vector<512x480xf32>
    %get3A_4 = arith.constant 0 : index
    %get3A_5 = arith.constant 0 : index
    %get3A_6 = arith.constant 0 : index
    %get3A_7 = vector.load %arg2[%get3A_4, %get3A_5, %get3A_6] : memref<4x512x512xf32, #tpu.memory_space<vmem>>, vector<1x512x512xf32>
    %get3A_8 = vector.shape_cast %get3A_7 : vector<1x512x512xf32> to vector<512x512xf32>
    %dot_general3A = arith.constant dense<0.000000e+00> : vector<512x480xf32>
    %dot_general3A_9 = tpu.matmul %get3A_8, %get3A_3, %dot_general3A {dimension_numbers = #tpu.dot_dimension_numbers<[1], [0], [0], [1], [0, 0, 1, 1], [], []>, transpose_lhs_hint = false} : vector<512x512xf32>, vector<512x480xf32>, vector<512x480xf32> -> vector<512x480xf32>
    %get3A_10 = arith.constant 0 : index
    %get3A_11 = arith.constant 0 : index
    %get3A_12 = vector.load %arg3[%get3A_10, %get3A_11] : memref<480x200xf32, #tpu.memory_space<vmem>>, vector<480x200xf32>
    %dot_general3A_13 = arith.constant dense<0.000000e+00> : vector<512x200xf32>
    %dot_general3A_14 = tpu.matmul %dot_general3A_9, %get3A_12, %dot_general3A_13 {dimension_numbers = #tpu.dot_dimension_numbers<[1], [0], [0], [1], [0, 0, 1, 1], [], []>, transpose_lhs_hint = false} : vector<512x480xf32>, vector<480x200xf32>, vector<512x200xf32> -> vector<512x200xf32>
    %get3A_15 = arith.constant 0 : index
    %get3A_16 = vector.load %arg4[%get3A_15] : memref<200xf32, #tpu.memory_space<vmem>>, vector<200xf32>
    %broadcast_in_dim3A = vector.shape_cast %get3A_16 : vector<200xf32> to vector<1x200xf32>
    %add3A = vector.broadcast %broadcast_in_dim3A : vector<1x200xf32> to vector<512x200xf32>
    %add3A_17 = arith.addf %dot_general3A_14, %add3A : vector<512x200xf32>
    %max3A = arith.constant 0.000000e+00 : f32
    %max3A_18 = vector.broadcast %max3A : f32 to vector<512x200xf32>
    %max3A_19 = arith.maximumf %add3A_17, %max3A_18 : vector<512x200xf32>
    %dot_general3A_20 = arith.constant dense<0.000000e+00> : vector<512x200xf32>
    %dot_general3A_21 = tpu.matmul %get3A_8, %max3A_19, %dot_general3A_20 {dimension_numbers = #tpu.dot_dimension_numbers<[1], [0], [0], [1], [0, 0, 1, 1], [], []>, transpose_lhs_hint = false} : vector<512x512xf32>, vector<512x200xf32>, vector<512x200xf32> -> vector<512x200xf32>
    %get3A_22 = arith.constant 0 : index
    %get3A_23 = arith.constant 0 : index
    %get3A_24 = vector.load %arg5[%get3A_22, %get3A_23] : memref<200x100xf32, #tpu.memory_space<vmem>>, vector<200x100xf32>
    %dot_general3A_25 = arith.constant dense<0.000000e+00> : vector<512x100xf32>
    %dot_general3A_26 = tpu.matmul %dot_general3A_21, %get3A_24, %dot_general3A_25 {dimension_numbers = #tpu.dot_dimension_numbers<[1], [0], [0], [1], [0, 0, 1, 1], [], []>, transpose_lhs_hint = false} : vector<512x200xf32>, vector<200x100xf32>, vector<512x100xf32> -> vector<512x100xf32>
    %get3A_27 = arith.constant 0 : index
    %get3A_28 = vector.load %arg6[%get3A_27] : memref<100xf32, #tpu.memory_space<vmem>>, vector<100xf32>
    %broadcast_in_dim3A_29 = vector.shape_cast %get3A_28 : vector<100xf32> to vector<1x100xf32>
    %add3A_30 = vector.broadcast %broadcast_in_dim3A_29 : vector<1x100xf32> to vector<512x100xf32>
    %add3A_31 = arith.addf %dot_general3A_26, %add3A_30 : vector<512x100xf32>
    %max3A_32 = arith.constant 0.000000e+00 : f32
    %max3A_33 = vector.broadcast %max3A_32 : f32 to vector<512x100xf32>
    %max3A_34 = arith.maximumf %add3A_31, %max3A_33 : vector<512x100xf32>
    %get3A_35 = arith.constant 0 : index
    %get3A_36 = arith.constant 0 : index
    %get3A_37 = vector.load %arg7[%get3A_35, %get3A_36] : memref<100x128xf32, #tpu.memory_space<vmem>>, vector<100x128xf32>
    %dot_general3A_38 = arith.constant dense<0.000000e+00> : vector<512x128xf32>
    %dot_general3A_39 = tpu.matmul %max3A_34, %get3A_37, %dot_general3A_38 {dimension_numbers = #tpu.dot_dimension_numbers<[1], [0], [0], [1], [0, 0, 1, 1], [], []>, transpose_lhs_hint = false} : vector<512x100xf32>, vector<100x128xf32>, vector<512x128xf32> -> vector<512x128xf32>
    %get3A_40 = arith.constant 0 : index
    %get3A_41 = vector.load %arg8[%get3A_40] : memref<128xf32, #tpu.memory_space<vmem>>, vector<128xf32>
    %broadcast_in_dim3A_42 = vector.shape_cast %get3A_41 : vector<128xf32> to vector<1x128xf32>
    %add3A_43 = vector.broadcast %broadcast_in_dim3A_42 : vector<1x128xf32> to vector<512x128xf32>
    %add3A_44 = arith.addf %dot_general3A_39, %add3A_43 : vector<512x128xf32>
    %tanh3A = math.tanh %add3A_44 : vector<512x128xf32>
    %reduce_sum3A = arith.constant dense<0.000000e+00> : vector<128xf32>
    %reduce_sum3A_45 = vector.multi_reduction <add>, %tanh3A, %reduce_sum3A [0] : vector<512x128xf32> to vector<128xf32>
    %broadcast_in_dim3A_46 = vector.shape_cast %reduce_sum3A_45 : vector<128xf32> to vector<1x128xf32>
    %swap3A = arith.constant 0 : index
    %swap3A_47 = arith.constant 0 : index
    %swap3A_48 = arith.constant 0 : index
    %swap3A_49 = vector.load %arg9[%swap3A, %swap3A_47, %swap3A_48] : memref<4x1x128xf32, #tpu.memory_space<vmem>>, vector<1x1x128xf32>
    %swap3A_50 = vector.shape_cast %swap3A_49 : vector<1x1x128xf32> to vector<1x128xf32>
    %swap3A_51 = vector.shape_cast %broadcast_in_dim3A_46 : vector<1x128xf32> to vector<1x1x128xf32>
    tpu.vector_store %arg9[%swap3A, %swap3A_47, %swap3A_48], %swap3A_51 {strides = array<i32>} : memref<4x1x128xf32, #tpu.memory_space<vmem>>, vector<1x1x128xf32>,
    %get3A_52 = arith.constant 1 : index
    %get3A_53 = arith.constant 0 : index
    %get3A_54 = arith.constant 0 : index
    %get3A_55 = vector.load %arg1[%get3A_52, %get3A_53, %get3A_54] : memref<4x512x480xf32, #tpu.memory_space<vmem>>, vector<1x512x480xf32>
    %get3A_56 = vector.shape_cast %get3A_55 : vector<1x512x480xf32> to vector<512x480xf32>
    %get3A_57 = arith.constant 1 : index
    %get3A_58 = arith.constant 0 : index
    %get3A_59 = arith.constant 0 : index
    %get3A_60 = vector.load %arg2[%get3A_57, %get3A_58, %get3A_59] : memref<4x512x512xf32, #tpu.memory_space<vmem>>, vector<1x512x512xf32>
    %get3A_61 = vector.shape_cast %get3A_60 : vector<1x512x512xf32> to vector<512x512xf32>
    %dot_general3A_62 = arith.constant dense<0.000000e+00> : vector<512x480xf32>
    %dot_general3A_63 = tpu.matmul %get3A_61, %get3A_56, %dot_general3A_62 {dimension_numbers = #tpu.dot_dimension_numbers<[1], [0], [0], [1], [0, 0, 1, 1], [], []>, transpose_lhs_hint = false} : vector<512x512xf32>, vector<512x480xf32>, vector<512x480xf32> -> vector<512x480xf32>
    %get3A_64 = arith.constant 0 : index
    %get3A_65 = arith.constant 0 : index
    %get3A_66 = vector.load %arg3[%get3A_64, %get3A_65] : memref<480x200xf32, #tpu.memory_space<vmem>>, vector<480x200xf32>
    %dot_general3A_67 = arith.constant dense<0.000000e+00> : vector<512x200xf32>
    %dot_general3A_68 = tpu.matmul %dot_general3A_63, %get3A_66, %dot_general3A_67 {dimension_numbers = #tpu.dot_dimension_numbers<[1], [0], [0], [1], [0, 0, 1, 1], [], []>, transpose_lhs_hint = false} : vector<512x480xf32>, vector<480x200xf32>, vector<512x200xf32> -> vector<512x200xf32>
    %get3A_69 = arith.constant 0 : index
    %get3A_70 = vector.load %arg4[%get3A_69] : memref<200xf32, #tpu.memory_space<vmem>>, vector<200xf32>
    %broadcast_in_dim3A_71 = vector.shape_cast %get3A_70 : vector<200xf32> to vector<1x200xf32>
    %add3A_72 = vector.broadcast %broadcast_in_dim3A_71 : vector<1x200xf32> to vector<512x200xf32>
    %add3A_73 = arith.addf %dot_general3A_68, %add3A_72 : vector<512x200xf32>
    %max3A_74 = arith.constant 0.000000e+00 : f32
    %max3A_75 = vector.broadcast %max3A_74 : f32 to vector<512x200xf32>
    %max3A_76 = arith.maximumf %add3A_73, %max3A_75 : vector<512x200xf32>
    %dot_general3A_77 = arith.constant dense<0.000000e+00> : vector<512x200xf32>
    %dot_general3A_78 = tpu.matmul %get3A_61, %max3A_76, %dot_general3A_77 {dimension_numbers = #tpu.dot_dimension_numbers<[1], [0], [0], [1], [0, 0, 1, 1], [], []>, transpose_lhs_hint = false} : vector<512x512xf32>, vector<512x200xf32>, vector<512x200xf32> -> vector<512x200xf32>
    %get3A_79 = arith.constant 0 : index
    %get3A_80 = arith.constant 0 : index
    %get3A_81 = vector.load %arg5[%get3A_79, %get3A_80] : memref<200x100xf32, #tpu.memory_space<vmem>>, vector<200x100xf32>
    %dot_general3A_82 = arith.constant dense<0.000000e+00> : vector<512x100xf32>
    %dot_general3A_83 = tpu.matmul %dot_general3A_78, %get3A_81, %dot_general3A_82 {dimension_numbers = #tpu.dot_dimension_numbers<[1], [0], [0], [1], [0, 0, 1, 1], [], []>, transpose_lhs_hint = false} : vector<512x200xf32>, vector<200x100xf32>, vector<512x100xf32> -> vector<512x100xf32>
    %get3A_84 = arith.constant 0 : index
    %get3A_85 = vector.load %arg6[%get3A_84] : memref<100xf32, #tpu.memory_space<vmem>>, vector<100xf32>
    %broadcast_in_dim3A_86 = vector.shape_cast %get3A_85 : vector<100xf32> to vector<1x100xf32>
    %add3A_87 = vector.broadcast %broadcast_in_dim3A_86 : vector<1x100xf32> to vector<512x100xf32>
    %add3A_88 = arith.addf %dot_general3A_83, %add3A_87 : vector<512x100xf32>
    %max3A_89 = arith.constant 0.000000e+00 : f32
    %max3A_90 = vector.broadcast %max3A_89 : f32 to vector<512x100xf32>
    %max3A_91 = arith.maximumf %add3A_88, %max3A_90 : vector<512x100xf32>
    %get3A_92 = arith.constant 0 : index
    %get3A_93 = arith.constant 0 : index
    %get3A_94 = vector.load %arg7[%get3A_92, %get3A_93] : memref<100x128xf32, #tpu.memory_space<vmem>>, vector<100x128xf32>
    %dot_general3A_95 = arith.constant dense<0.000000e+00> : vector<512x128xf32>
    %dot_general3A_96 = tpu.matmul %max3A_91, %get3A_94, %dot_general3A_95 {dimension_numbers = #tpu.dot_dimension_numbers<[1], [0], [0], [1], [0, 0, 1, 1], [], []>, transpose_lhs_hint = false} : vector<512x100xf32>, vector<100x128xf32>, vector<512x128xf32> -> vector<512x128xf32>
    %get3A_97 = arith.constant 0 : index
    %get3A_98 = vector.load %arg8[%get3A_97] : memref<128xf32, #tpu.memory_space<vmem>>, vector<128xf32>
    %broadcast_in_dim3A_99 = vector.shape_cast %get3A_98 : vector<128xf32> to vector<1x128xf32>
    %add3A_100 = vector.broadcast %broadcast_in_dim3A_99 : vector<1x128xf32> to vector<512x128xf32>
    %add3A_101 = arith.addf %dot_general3A_96, %add3A_100 : vector<512x128xf32>
    %tanh3A_102 = math.tanh %add3A_101 : vector<512x128xf32>
    %reduce_sum3A_103 = arith.constant dense<0.000000e+00> : vector<128xf32>
    %reduce_sum3A_104 = vector.multi_reduction <add>, %tanh3A_102, %reduce_sum3A_103 [0] : vector<512x128xf32> to vector<128xf32>
    %broadcast_in_dim3A_105 = vector.shape_cast %reduce_sum3A_104 : vector<128xf32> to vector<1x128xf32>
    %swap3A_106 = arith.constant 1 : index
    %swap3A_107 = arith.constant 0 : index
    %swap3A_108 = arith.constant 0 : index
    %swap3A_109 = vector.load %arg9[%swap3A_106, %swap3A_107, %swap3A_108] : memref<4x1x128xf32, #tpu.memory_space<vmem>>, vector<1x1x128xf32>
    %swap3A_110 = vector.shape_cast %swap3A_109 : vector<1x1x128xf32> to vector<1x128xf32>
    %swap3A_111 = vector.shape_cast %broadcast_in_dim3A_105 : vector<1x128xf32> to vector<1x1x128xf32>
    tpu.vector_store %arg9[%swap3A_106, %swap3A_107, %swap3A_108], %swap3A_111 {strides = array<i32>} : memref<4x1x128xf32, #tpu.memory_space<vmem>>, vector<1x1x128xf32>,
    %get3A_112 = arith.constant 2 : index
    %get3A_113 = arith.constant 0 : index
    %get3A_114 = arith.constant 0 : index
    %get3A_115 = vector.load %arg1[%get3A_112, %get3A_113, %get3A_114] : memref<4x512x480xf32, #tpu.memory_space<vmem>>, vector<1x512x480xf32>
    %get3A_116 = vector.shape_cast %get3A_115 : vector<1x512x480xf32> to vector<512x480xf32>
    %get3A_117 = arith.constant 2 : index
    %get3A_118 = arith.constant 0 : index
    %get3A_119 = arith.constant 0 : index
    %get3A_120 = vector.load %arg2[%get3A_117, %get3A_118, %get3A_119] : memref<4x512x512xf32, #tpu.memory_space<vmem>>, vector<1x512x512xf32>
    %get3A_121 = vector.shape_cast %get3A_120 : vector<1x512x512xf32> to vector<512x512xf32>
    %dot_general3A_122 = arith.constant dense<0.000000e+00> : vector<512x480xf32>
    %dot_general3A_123 = tpu.matmul %get3A_121, %get3A_116, %dot_general3A_122 {dimension_numbers = #tpu.dot_dimension_numbers<[1], [0], [0], [1], [0, 0, 1, 1], [], []>, transpose_lhs_hint = false} : vector<512x512xf32>, vector<512x480xf32>, vector<512x480xf32> -> vector<512x480xf32>
    %get3A_124 = arith.constant 0 : index
    %get3A_125 = arith.constant 0 : index
    %get3A_126 = vector.load %arg3[%get3A_124, %get3A_125] : memref<480x200xf32, #tpu.memory_space<vmem>>, vector<480x200xf32>
    %dot_general3A_127 = arith.constant dense<0.000000e+00> : vector<512x200xf32>
    %dot_general3A_128 = tpu.matmul %dot_general3A_123, %get3A_126, %dot_general3A_127 {dimension_numbers = #tpu.dot_dimension_numbers<[1], [0], [0], [1], [0, 0, 1, 1], [], []>, transpose_lhs_hint = false} : vector<512x480xf32>, vector<480x200xf32>, vector<512x200xf32> -> vector<512x200xf32>
    %get3A_129 = arith.constant 0 : index
    %get3A_130 = vector.load %arg4[%get3A_129] : memref<200xf32, #tpu.memory_space<vmem>>, vector<200xf32>
    %broadcast_in_dim3A_131 = vector.shape_cast %get3A_130 : vector<200xf32> to vector<1x200xf32>
    %add3A_132 = vector.broadcast %broadcast_in_dim3A_131 : vector<1x200xf32> to vector<512x200xf32>
    %add3A_133 = arith.addf %dot_general3A_128, %add3A_132 : vector<512x200xf32>
    %max3A_134 = arith.constant 0.000000e+00 : f32
    %max3A_135 = vector.broadcast %max3A_134 : f32 to vector<512x200xf32>
    %max3A_136 = arith.maximumf %add3A_133, %max3A_135 : vector<512x200xf32>
    %dot_general3A_137 = arith.constant dense<0.000000e+00> : vector<512x200xf32>
    %dot_general3A_138 = tpu.matmul %get3A_121, %max3A_136, %dot_general3A_137 {dimension_numbers = #tpu.dot_dimension_numbers<[1], [0], [0], [1], [0, 0, 1, 1], [], []>, transpose_lhs_hint = false} : vector<512x512xf32>, vector<512x200xf32>, vector<512x200xf32> -> vector<512x200xf32>
    %get3A_139 = arith.constant 0 : index
    %get3A_140 = arith.constant 0 : index
    %get3A_141 = vector.load %arg5[%get3A_139, %get3A_140] : memref<200x100xf32, #tpu.memory_space<vmem>>, vector<200x100xf32>
    %dot_general3A_142 = arith.constant dense<0.000000e+00> : vector<512x100xf32>
    %dot_general3A_143 = tpu.matmul %dot_general3A_138, %get3A_141, %dot_general3A_142 {dimension_numbers = #tpu.dot_dimension_numbers<[1], [0], [0], [1], [0, 0, 1, 1], [], []>, transpose_lhs_hint = false} : vector<512x200xf32>, vector<200x100xf32>, vector<512x100xf32> -> vector<512x100xf32>
    %get3A_144 = arith.constant 0 : index
    %get3A_145 = vector.load %arg6[%get3A_144] : memref<100xf32, #tpu.memory_space<vmem>>, vector<100xf32>
    %broadcast_in_dim3A_146 = vector.shape_cast %get3A_145 : vector<100xf32> to vector<1x100xf32>
    %add3A_147 = vector.broadcast %broadcast_in_dim3A_146 : vector<1x100xf32> to vector<512x100xf32>
    %add3A_148 = arith.addf %dot_general3A_143, %add3A_147 : vector<512x100xf32>
    %max3A_149 = arith.constant 0.000000e+00 : f32
    %max3A_150 = vector.broadcast %max3A_149 : f32 to vector<512x100xf32>
    %max3A_151 = arith.maximumf %add3A_148, %max3A_150 : vector<512x100xf32>
    %get3A_152 = arith.constant 0 : index
    %get3A_153 = arith.constant 0 : index
    %get3A_154 = vector.load %arg7[%get3A_152, %get3A_153] : memref<100x128xf32, #tpu.memory_space<vmem>>, vector<100x128xf32>
    %dot_general3A_155 = arith.constant dense<0.000000e+00> : vector<512x128xf32>
    %dot_general3A_156 = tpu.matmul %max3A_151, %get3A_154, %dot_general3A_155 {dimension_numbers = #tpu.dot_dimension_numbers<[1], [0], [0], [1], [0, 0, 1, 1], [], []>, transpose_lhs_hint = false} : vector<512x100xf32>, vector<100x128xf32>, vector<512x128xf32> -> vector<512x128xf32>
    %get3A_157 = arith.constant 0 : index
    %get3A_158 = vector.load %arg8[%get3A_157] : memref<128xf32, #tpu.memory_space<vmem>>, vector<128xf32>
    %broadcast_in_dim3A_159 = vector.shape_cast %get3A_158 : vector<128xf32> to vector<1x128xf32>
    %add3A_160 = vector.broadcast %broadcast_in_dim3A_159 : vector<1x128xf32> to vector<512x128xf32>
    %add3A_161 = arith.addf %dot_general3A_156, %add3A_160 : vector<512x128xf32>
    %tanh3A_162 = math.tanh %add3A_161 : vector<512x128xf32>
    %reduce_sum3A_163 = arith.constant dense<0.000000e+00> : vector<128xf32>
    %reduce_sum3A_164 = vector.multi_reduction <add>, %tanh3A_162, %reduce_sum3A_163 [0] : vector<512x128xf32> to vector<128xf32>
    %broadcast_in_dim3A_165 = vector.shape_cast %reduce_sum3A_164 : vector<128xf32> to vector<1x128xf32>
    %swap3A_166 = arith.constant 2 : index
    %swap3A_167 = arith.constant 0 : index
    %swap3A_168 = arith.constant 0 : index
    %swap3A_169 = vector.load %arg9[%swap3A_166, %swap3A_167, %swap3A_168] : memref<4x1x128xf32, #tpu.memory_space<vmem>>, vector<1x1x128xf32>
    %swap3A_170 = vector.shape_cast %swap3A_169 : vector<1x1x128xf32> to vector<1x128xf32>
    %swap3A_171 = vector.shape_cast %broadcast_in_dim3A_165 : vector<1x128xf32> to vector<1x1x128xf32>
    tpu.vector_store %arg9[%swap3A_166, %swap3A_167, %swap3A_168], %swap3A_171 {strides = array<i32>} : memref<4x1x128xf32, #tpu.memory_space<vmem>>, vector<1x1x128xf32>,
    %get3A_172 = arith.constant 3 : index
    %get3A_173 = arith.constant 0 : index
    %get3A_174 = arith.constant 0 : index
    %get3A_175 = vector.load %arg1[%get3A_172, %get3A_173, %get3A_174] : memref<4x512x480xf32, #tpu.memory_space<vmem>>, vector<1x512x480xf32>
    %get3A_176 = vector.shape_cast %get3A_175 : vector<1x512x480xf32> to vector<512x480xf32>
    %get3A_177 = arith.constant 3 : index
    %get3A_178 = arith.constant 0 : index
    %get3A_179 = arith.constant 0 : index
    %get3A_180 = vector.load %arg2[%get3A_177, %get3A_178, %get3A_179] : memref<4x512x512xf32, #tpu.memory_space<vmem>>, vector<1x512x512xf32>
    %get3A_181 = vector.shape_cast %get3A_180 : vector<1x512x512xf32> to vector<512x512xf32>
    %dot_general3A_182 = arith.constant dense<0.000000e+00> : vector<512x480xf32>
    %dot_general3A_183 = tpu.matmul %get3A_181, %get3A_176, %dot_general3A_182 {dimension_numbers = #tpu.dot_dimension_numbers<[1], [0], [0], [1], [0, 0, 1, 1], [], []>, transpose_lhs_hint = false} : vector<512x512xf32>, vector<512x480xf32>, vector<512x480xf32> -> vector<512x480xf32>
    %get3A_184 = arith.constant 0 : index
    %get3A_185 = arith.constant 0 : index
    %get3A_186 = vector.load %arg3[%get3A_184, %get3A_185] : memref<480x200xf32, #tpu.memory_space<vmem>>, vector<480x200xf32>
    %dot_general3A_187 = arith.constant dense<0.000000e+00> : vector<512x200xf32>
    %dot_general3A_188 = tpu.matmul %dot_general3A_183, %get3A_186, %dot_general3A_187 {dimension_numbers = #tpu.dot_dimension_numbers<[1], [0], [0], [1], [0, 0, 1, 1], [], []>, transpose_lhs_hint = false} : vector<512x480xf32>, vector<480x200xf32>, vector<512x200xf32> -> vector<512x200xf32>
    %get3A_189 = arith.constant 0 : index
    %get3A_190 = vector.load %arg4[%get3A_189] : memref<200xf32, #tpu.memory_space<vmem>>, vector<200xf32>
    %broadcast_in_dim3A_191 = vector.shape_cast %get3A_190 : vector<200xf32> to vector<1x200xf32>
    %add3A_192 = vector.broadcast %broadcast_in_dim3A_191 : vector<1x200xf32> to vector<512x200xf32>
    %add3A_193 = arith.addf %dot_general3A_188, %add3A_192 : vector<512x200xf32>
    %max3A_194 = arith.constant 0.000000e+00 : f32
    %max3A_195 = vector.broadcast %max3A_194 : f32 to vector<512x200xf32>
    %max3A_196 = arith.maximumf %add3A_193, %max3A_195 : vector<512x200xf32>
    %dot_general3A_197 = arith.constant dense<0.000000e+00> : vector<512x200xf32>
    %dot_general3A_198 = tpu.matmul %get3A_181, %max3A_196, %dot_general3A_197 {dimension_numbers = #tpu.dot_dimension_numbers<[1], [0], [0], [1], [0, 0, 1, 1], [], []>, transpose_lhs_hint = false} : vector<512x512xf32>, vector<512x200xf32>, vector<512x200xf32> -> vector<512x200xf32>
    %get3A_199 = arith.constant 0 : index
    %get3A_200 = arith.constant 0 : index
    %get3A_201 = vector.load %arg5[%get3A_199, %get3A_200] : memref<200x100xf32, #tpu.memory_space<vmem>>, vector<200x100xf32>
    %dot_general3A_202 = arith.constant dense<0.000000e+00> : vector<512x100xf32>
    %dot_general3A_203 = tpu.matmul %dot_general3A_198, %get3A_201, %dot_general3A_202 {dimension_numbers = #tpu.dot_dimension_numbers<[1], [0], [0], [1], [0, 0, 1, 1], [], []>, transpose_lhs_hint = false} : vector<512x200xf32>, vector<200x100xf32>, vector<512x100xf32> -> vector<512x100xf32>
    %get3A_204 = arith.constant 0 : index
    %get3A_205 = vector.load %arg6[%get3A_204] : memref<100xf32, #tpu.memory_space<vmem>>, vector<100xf32>
    %broadcast_in_dim3A_206 = vector.shape_cast %get3A_205 : vector<100xf32> to vector<1x100xf32>
    %add3A_207 = vector.broadcast %broadcast_in_dim3A_206 : vector<1x100xf32> to vector<512x100xf32>
    %add3A_208 = arith.addf %dot_general3A_203, %add3A_207 : vector<512x100xf32>
    %max3A_209 = arith.constant 0.000000e+00 : f32
    %max3A_210 = vector.broadcast %max3A_209 : f32 to vector<512x100xf32>
    %max3A_211 = arith.maximumf %add3A_208, %max3A_210 : vector<512x100xf32>
    %get3A_212 = arith.constant 0 : index
    %get3A_213 = arith.constant 0 : index
    %get3A_214 = vector.load %arg7[%get3A_212, %get3A_213] : memref<100x128xf32, #tpu.memory_space<vmem>>, vector<100x128xf32>
    %dot_general3A_215 = arith.constant dense<0.000000e+00> : vector<512x128xf32>
    %dot_general3A_216 = tpu.matmul %max3A_211, %get3A_214, %dot_general3A_215 {dimension_numbers = #tpu.dot_dimension_numbers<[1], [0], [0], [1], [0, 0, 1, 1], [], []>, transpose_lhs_hint = false} : vector<512x100xf32>, vector<100x128xf32>, vector<512x128xf32> -> vector<512x128xf32>
    %get3A_217 = arith.constant 0 : index
    %get3A_218 = vector.load %arg8[%get3A_217] : memref<128xf32, #tpu.memory_space<vmem>>, vector<128xf32>
    %broadcast_in_dim3A_219 = vector.shape_cast %get3A_218 : vector<128xf32> to vector<1x128xf32>
    %add3A_220 = vector.broadcast %broadcast_in_dim3A_219 : vector<1x128xf32> to vector<512x128xf32>
    %add3A_221 = arith.addf %dot_general3A_216, %add3A_220 : vector<512x128xf32>
    %tanh3A_222 = math.tanh %add3A_221 : vector<512x128xf32>
    %reduce_sum3A_223 = arith.constant dense<0.000000e+00> : vector<128xf32>
    %reduce_sum3A_224 = vector.multi_reduction <add>, %tanh3A_222, %reduce_sum3A_223 [0] : vector<512x128xf32> to vector<128xf32>
    %broadcast_in_dim3A_225 = vector.shape_cast %reduce_sum3A_224 : vector<128xf32> to vector<1x128xf32>
    %swap3A_226 = arith.constant 3 : index
    %swap3A_227 = arith.constant 0 : index
    %swap3A_228 = arith.constant 0 : index
    %swap3A_229 = vector.load %arg9[%swap3A_226, %swap3A_227, %swap3A_228] : memref<4x1x128xf32, #tpu.memory_space<vmem>>, vector<1x1x128xf32>
    %swap3A_230 = vector.shape_cast %swap3A_229 : vector<1x1x128xf32> to vector<1x128xf32>
    %swap3A_231 = vector.shape_cast %broadcast_in_dim3A_225 : vector<1x128xf32> to vector<1x1x128xf32>
    tpu.vector_store %arg9[%swap3A_226, %swap3A_227, %swap3A_228], %swap3A_231 {strides = array<i32>} : memref<4x1x128xf32, #tpu.memory_space<vmem>>, vector<1x1x128xf32>,
    return
  }
  func.func @transform_0(%arg0: i32) -> (i32, i32, i32) {
    %c0_i32 = arith.constant 0 : i32
    %c0_i32_0 = arith.constant 0 : i32
    %c0_i32_1 = arith.constant 0 : i32
    return %arg0, %c0_i32, %c0_i32_0 : i32, i32, i32
  }
  func.func @transform_1(%arg0: i32) -> (i32, i32, i32) {
    %c0_i32 = arith.constant 0 : i32
    %c0_i32_0 = arith.constant 0 : i32
    %c0_i32_1 = arith.constant 0 : i32
    return %arg0, %c0_i32, %c0_i32_0 : i32, i32, i32
  }
  func.func @transform_2(%arg0: i32) -> (i32, i32) {
    %c0_i32 = arith.constant 0 : i32
    %c0_i32_0 = arith.constant 0 : i32
    %c0_i32_1 = arith.constant 0 : i32
    return %c0_i32, %c0_i32_0 : i32, i32
  }
  func.func @transform_3(%arg0: i32) -> i32 {
    %c0_i32 = arith.constant 0 : i32
    %c0_i32_0 = arith.constant 0 : i32
    return %c0_i32 : i32
  }
  func.func @transform_4(%arg0: i32) -> (i32, i32) {
    %c0_i32 = arith.constant 0 : i32
    %c0_i32_0 = arith.constant 0 : i32
    %c0_i32_1 = arith.constant 0 : i32
    return %c0_i32, %c0_i32_0 : i32, i32
  }
  func.func @transform_5(%arg0: i32) -> i32 {
    %c0_i32 = arith.constant 0 : i32
    %c0_i32_0 = arith.constant 0 : i32
    return %c0_i32 : i32
  }
  func.func @transform_6(%arg0: i32) -> (i32, i32) {
    %c0_i32 = arith.constant 0 : i32
    %c0_i32_0 = arith.constant 0 : i32
    %c0_i32_1 = arith.constant 0 : i32
    return %c0_i32, %c0_i32_0 : i32, i32
  }
  func.func @transform_7(%arg0: i32) -> i32 {
    %c0_i32 = arith.constant 0 : i32
    %c0_i32_0 = arith.constant 0 : i32
    return %c0_i32 : i32
  }
  func.func @transform_8(%arg0: i32) -> (i32, i32, i32) {
    %c0_i32 = arith.constant 0 : i32
    %c0_i32_0 = arith.constant 0 : i32
    %c0_i32_1 = arith.constant 0 : i32
    return %arg0, %c0_i32, %c0_i32_0 : i32, i32, i32
  }
}

module attributes {stable_mosaic.version = 14 : i64} {
  func.func @_mol_body(%arg0: i32, %arg1: memref<8x64x37xf32, #tpu.memory_space<vmem>>, %arg2: memref<8x64x6x6xf32, #tpu.memory_space<vmem>>, %arg3: memref<8x64x64xf32, #tpu.memory_space<vmem>>, %arg4: memref<43x128xf32, #tpu.memory_space<vmem>>, %arg5: memref<128xf32, #tpu.memory_space<vmem>>, %arg6: memref<134x128xf32, #tpu.memory_space<vmem>>, %arg7: memref<128xf32, #tpu.memory_space<vmem>>, %arg8: memref<134x128xf32, #tpu.memory_space<vmem>>, %arg9: memref<128xf32, #tpu.memory_space<vmem>>, %arg10: memref<8x1x128xf32, #tpu.memory_space<vmem>>) attributes {dimension_semantics = [#tpu.dimension_semantics<arbitrary>], iteration_bounds = array<i64: 8>, scalar_prefetch = 0 : i64, scratch_operands = 0 : i64, tpu.core_type = #tpu.core_type<tc>, window_params = [{transform_indices = @transform_0, window_bounds = array<i64: 8, 64, 37>}, {transform_indices = @transform_1, window_bounds = array<i64: 8, 64, 6, 6>}, {transform_indices = @transform_2, window_bounds = array<i64: 8, 64, 64>}, {pipeline_mode = #tpu.pipeline_mode<synchronous>, transform_indices = @transform_3, window_bounds = array<i64: 43, 128>}, {pipeline_mode = #tpu.pipeline_mode<synchronous>, transform_indices = @transform_4, window_bounds = array<i64: 128>}, {pipeline_mode = #tpu.pipeline_mode<synchronous>, transform_indices = @transform_5, window_bounds = array<i64: 134, 128>}, {pipeline_mode = #tpu.pipeline_mode<synchronous>, transform_indices = @transform_6, window_bounds = array<i64: 128>}, {pipeline_mode = #tpu.pipeline_mode<synchronous>, transform_indices = @transform_7, window_bounds = array<i64: 134, 128>}, {pipeline_mode = #tpu.pipeline_mode<synchronous>, transform_indices = @transform_8, window_bounds = array<i64: 128>}, {transform_indices = @transform_9, window_bounds = array<i64: 8, 1, 128>}]} {
    %get3A = arith.constant 0 : index
    %get3A_0 = arith.constant 0 : index
    %get3A_1 = vector.load %arg4[%get3A, %get3A_0] : memref<43x128xf32, #tpu.memory_space<vmem>>, vector<43x128xf32>
    %get3A_2 = arith.constant 0 : index
    %get3A_3 = arith.constant 0 : index
    %get3A_4 = vector.load %arg6[%get3A_2, %get3A_3] : memref<134x128xf32, #tpu.memory_space<vmem>>, vector<134x128xf32>
    %get3A_5 = arith.constant 0 : index
    %get3A_6 = arith.constant 0 : index
    %get3A_7 = vector.load %arg8[%get3A_5, %get3A_6] : memref<134x128xf32, #tpu.memory_space<vmem>>, vector<134x128xf32>
    %get3A_8 = arith.constant 0 : index
    %get3A_9 = arith.constant 0 : index
    %get3A_10 = arith.constant 0 : index
    %get3A_11 = vector.load %arg1[%get3A_8, %get3A_9, %get3A_10] : memref<8x64x37xf32, #tpu.memory_space<vmem>>, vector<1x64x37xf32>
    %get3A_12 = vector.shape_cast %get3A_11 : vector<1x64x37xf32> to vector<64x37xf32>
    %get3A_13 = arith.constant 0 : index
    %get3A_14 = arith.constant 0 : index
    %get3A_15 = arith.constant 0 : index
    %get3A_16 = arith.constant 0 : index
    %get3A_17 = vector.load %arg2[%get3A_13, %get3A_14, %get3A_15, %get3A_16] : memref<8x64x6x6xf32, #tpu.memory_space<vmem>>, vector<1x64x6x6xf32>
    %get3A_18 = vector.shape_cast %get3A_17 : vector<1x64x6x6xf32> to vector<64x6x6xf32>
    %reduce_sum3A = arith.constant dense<0.000000e+00> : vector<64x6xf32>
    %reduce_sum3A_19 = vector.multi_reduction <add>, %get3A_18, %reduce_sum3A [1] : vector<64x6x6xf32> to vector<64x6xf32>
    %get3A_20 = arith.constant 0 : index
    %get3A_21 = arith.constant 0 : index
    %get3A_22 = arith.constant 0 : index
    %get3A_23 = vector.load %arg3[%get3A_20, %get3A_21, %get3A_22] : memref<8x64x64xf32, #tpu.memory_space<vmem>>, vector<1x64x64xf32>
    %get3A_24 = vector.shape_cast %get3A_23 : vector<1x64x64xf32> to vector<64x64xf32>
    %dot_general3A = arith.constant dense<0.000000e+00> : vector<64x37xf32>
    %dot_general3A_25 = tpu.matmul %get3A_24, %get3A_12, %dot_general3A {dimension_numbers = #tpu.dot_dimension_numbers<[1], [0], [0], [1], [0, 0, 1, 1], [], []>, precision = #tpu.contract_precision<fp32>, transpose_lhs_hint = false} : vector<64x64xf32>, vector<64x37xf32>, vector<64x37xf32> -> vector<64x37xf32>
    %add3A = arith.addf %get3A_12, %dot_general3A_25 : vector<64x37xf32>
    %slice3A = vector.extract_strided_slice %get3A_1 {offsets = [0, 0], sizes = [37, 128], strides = [1, 1]} : vector<43x128xf32> to vector<37x128xf32>
    %dot_general3A_26 = arith.constant dense<0.000000e+00> : vector<64x128xf32>
    %dot_general3A_27 = tpu.matmul %add3A, %slice3A, %dot_general3A_26 {dimension_numbers = #tpu.dot_dimension_numbers<[1], [0], [0], [1], [0, 0, 1, 1], [], []>, transpose_lhs_hint = false} : vector<64x37xf32>, vector<37x128xf32>, vector<64x128xf32> -> vector<64x128xf32>
    %slice3A_28 = vector.extract_strided_slice %get3A_1 {offsets = [37, 0], sizes = [6, 128], strides = [1, 1]} : vector<43x128xf32> to vector<6x128xf32>
    %dot_general3A_29 = arith.constant dense<0.000000e+00> : vector<64x128xf32>
    %dot_general3A_30 = tpu.matmul %reduce_sum3A_19, %slice3A_28, %dot_general3A_29 {dimension_numbers = #tpu.dot_dimension_numbers<[1], [0], [0], [1], [0, 0, 1, 1], [], []>, transpose_lhs_hint = false} : vector<64x6xf32>, vector<6x128xf32>, vector<64x128xf32> -> vector<64x128xf32>
    %add3A_31 = arith.addf %dot_general3A_27, %dot_general3A_30 : vector<64x128xf32>
    %get3A_32 = arith.constant 0 : index
    %get3A_33 = vector.load %arg5[%get3A_32] : memref<128xf32, #tpu.memory_space<vmem>>, vector<128xf32>
    %broadcast_in_dim3A = vector.shape_cast %get3A_33 : vector<128xf32> to vector<1x128xf32>
    %add3A_34 = vector.broadcast %broadcast_in_dim3A : vector<1x128xf32> to vector<64x128xf32>
    %add3A_35 = arith.addf %add3A_31, %add3A_34 : vector<64x128xf32>
    %max3A = arith.constant 0.000000e+00 : f32
    %max3A_36 = vector.broadcast %max3A : f32 to vector<64x128xf32>
    %max3A_37 = arith.maximumf %add3A_35, %max3A_36 : vector<64x128xf32>
    %dot_general3A_38 = arith.constant dense<0.000000e+00> : vector<64x128xf32>
    %dot_general3A_39 = tpu.matmul %get3A_24, %max3A_37, %dot_general3A_38 {dimension_numbers = #tpu.dot_dimension_numbers<[1], [0], [0], [1], [0, 0, 1, 1], [], []>, precision = #tpu.contract_precision<fp32>, transpose_lhs_hint = false} : vector<64x64xf32>, vector<64x128xf32>, vector<64x128xf32> -> vector<64x128xf32>
    %add3A_40 = arith.addf %max3A_37, %dot_general3A_39 : vector<64x128xf32>
    %slice3A_41 = vector.extract_strided_slice %get3A_4 {offsets = [0, 0], sizes = [128, 128], strides = [1, 1]} : vector<134x128xf32> to vector<128x128xf32>
    %dot_general3A_42 = arith.constant dense<0.000000e+00> : vector<64x128xf32>
    %dot_general3A_43 = tpu.matmul %add3A_40, %slice3A_41, %dot_general3A_42 {dimension_numbers = #tpu.dot_dimension_numbers<[1], [0], [0], [1], [0, 0, 1, 1], [], []>, transpose_lhs_hint = false} : vector<64x128xf32>, vector<128x128xf32>, vector<64x128xf32> -> vector<64x128xf32>
    %slice3A_44 = vector.extract_strided_slice %get3A_4 {offsets = [128, 0], sizes = [6, 128], strides = [1, 1]} : vector<134x128xf32> to vector<6x128xf32>
    %dot_general3A_45 = arith.constant dense<0.000000e+00> : vector<64x128xf32>
    %dot_general3A_46 = tpu.matmul %reduce_sum3A_19, %slice3A_44, %dot_general3A_45 {dimension_numbers = #tpu.dot_dimension_numbers<[1], [0], [0], [1], [0, 0, 1, 1], [], []>, transpose_lhs_hint = false} : vector<64x6xf32>, vector<6x128xf32>, vector<64x128xf32> -> vector<64x128xf32>
    %add3A_47 = arith.addf %dot_general3A_43, %dot_general3A_46 : vector<64x128xf32>
    %get3A_48 = arith.constant 0 : index
    %get3A_49 = vector.load %arg7[%get3A_48] : memref<128xf32, #tpu.memory_space<vmem>>, vector<128xf32>
    %broadcast_in_dim3A_50 = vector.shape_cast %get3A_49 : vector<128xf32> to vector<1x128xf32>
    %add3A_51 = vector.broadcast %broadcast_in_dim3A_50 : vector<1x128xf32> to vector<64x128xf32>
    %add3A_52 = arith.addf %add3A_47, %add3A_51 : vector<64x128xf32>
    %max3A_53 = arith.constant 0.000000e+00 : f32
    %max3A_54 = vector.broadcast %max3A_53 : f32 to vector<64x128xf32>
    %max3A_55 = arith.maximumf %add3A_52, %max3A_54 : vector<64x128xf32>
    %slice3A_56 = vector.extract_strided_slice %get3A_7 {offsets = [0, 0], sizes = [128, 128], strides = [1, 1]} : vector<134x128xf32> to vector<128x128xf32>
    %dot_general3A_57 = arith.constant dense<0.000000e+00> : vector<64x128xf32>
    %dot_general3A_58 = tpu.matmul %max3A_55, %slice3A_56, %dot_general3A_57 {dimension_numbers = #tpu.dot_dimension_numbers<[1], [0], [0], [1], [0, 0, 1, 1], [], []>, transpose_lhs_hint = false} : vector<64x128xf32>, vector<128x128xf32>, vector<64x128xf32> -> vector<64x128xf32>
    %slice3A_59 = vector.extract_strided_slice %get3A_7 {offsets = [128, 0], sizes = [6, 128], strides = [1, 1]} : vector<134x128xf32> to vector<6x128xf32>
    %dot_general3A_60 = arith.constant dense<0.000000e+00> : vector<64x128xf32>
    %dot_general3A_61 = tpu.matmul %reduce_sum3A_19, %slice3A_59, %dot_general3A_60 {dimension_numbers = #tpu.dot_dimension_numbers<[1], [0], [0], [1], [0, 0, 1, 1], [], []>, transpose_lhs_hint = false} : vector<64x6xf32>, vector<6x128xf32>, vector<64x128xf32> -> vector<64x128xf32>
    %add3A_62 = arith.addf %dot_general3A_58, %dot_general3A_61 : vector<64x128xf32>
    %get3A_63 = arith.constant 0 : index
    %get3A_64 = vector.load %arg9[%get3A_63] : memref<128xf32, #tpu.memory_space<vmem>>, vector<128xf32>
    %broadcast_in_dim3A_65 = vector.shape_cast %get3A_64 : vector<128xf32> to vector<1x128xf32>
    %add3A_66 = vector.broadcast %broadcast_in_dim3A_65 : vector<1x128xf32> to vector<64x128xf32>
    %add3A_67 = arith.addf %add3A_62, %add3A_66 : vector<64x128xf32>
    %tanh3A = math.tanh %add3A_67 : vector<64x128xf32>
    %reduce_sum3A_68 = arith.constant dense<0.000000e+00> : vector<128xf32>
    %reduce_sum3A_69 = vector.multi_reduction <add>, %tanh3A, %reduce_sum3A_68 [0] : vector<64x128xf32> to vector<128xf32>
    %broadcast_in_dim3A_70 = vector.shape_cast %reduce_sum3A_69 : vector<128xf32> to vector<1x128xf32>
    %swap3A = arith.constant 0 : index
    %swap3A_71 = arith.constant 0 : index
    %swap3A_72 = arith.constant 0 : index
    %swap3A_73 = vector.load %arg10[%swap3A, %swap3A_71, %swap3A_72] : memref<8x1x128xf32, #tpu.memory_space<vmem>>, vector<1x1x128xf32>
    %swap3A_74 = vector.shape_cast %swap3A_73 : vector<1x1x128xf32> to vector<1x128xf32>
    %swap3A_75 = vector.shape_cast %broadcast_in_dim3A_70 : vector<1x128xf32> to vector<1x1x128xf32>
    tpu.vector_store %arg10[%swap3A, %swap3A_71, %swap3A_72], %swap3A_75 {strides = array<i32>} : memref<8x1x128xf32, #tpu.memory_space<vmem>>, vector<1x1x128xf32>,
    %get3A_76 = arith.constant 1 : index
    %get3A_77 = arith.constant 0 : index
    %get3A_78 = arith.constant 0 : index
    %get3A_79 = vector.load %arg1[%get3A_76, %get3A_77, %get3A_78] : memref<8x64x37xf32, #tpu.memory_space<vmem>>, vector<1x64x37xf32>
    %get3A_80 = vector.shape_cast %get3A_79 : vector<1x64x37xf32> to vector<64x37xf32>
    %get3A_81 = arith.constant 1 : index
    %get3A_82 = arith.constant 0 : index
    %get3A_83 = arith.constant 0 : index
    %get3A_84 = arith.constant 0 : index
    %get3A_85 = vector.load %arg2[%get3A_81, %get3A_82, %get3A_83, %get3A_84] : memref<8x64x6x6xf32, #tpu.memory_space<vmem>>, vector<1x64x6x6xf32>
    %get3A_86 = vector.shape_cast %get3A_85 : vector<1x64x6x6xf32> to vector<64x6x6xf32>
    %reduce_sum3A_87 = arith.constant dense<0.000000e+00> : vector<64x6xf32>
    %reduce_sum3A_88 = vector.multi_reduction <add>, %get3A_86, %reduce_sum3A_87 [1] : vector<64x6x6xf32> to vector<64x6xf32>
    %get3A_89 = arith.constant 1 : index
    %get3A_90 = arith.constant 0 : index
    %get3A_91 = arith.constant 0 : index
    %get3A_92 = vector.load %arg3[%get3A_89, %get3A_90, %get3A_91] : memref<8x64x64xf32, #tpu.memory_space<vmem>>, vector<1x64x64xf32>
    %get3A_93 = vector.shape_cast %get3A_92 : vector<1x64x64xf32> to vector<64x64xf32>
    %dot_general3A_94 = arith.constant dense<0.000000e+00> : vector<64x37xf32>
    %dot_general3A_95 = tpu.matmul %get3A_93, %get3A_80, %dot_general3A_94 {dimension_numbers = #tpu.dot_dimension_numbers<[1], [0], [0], [1], [0, 0, 1, 1], [], []>, precision = #tpu.contract_precision<fp32>, transpose_lhs_hint = false} : vector<64x64xf32>, vector<64x37xf32>, vector<64x37xf32> -> vector<64x37xf32>
    %add3A_96 = arith.addf %get3A_80, %dot_general3A_95 : vector<64x37xf32>
    %slice3A_97 = vector.extract_strided_slice %get3A_1 {offsets = [0, 0], sizes = [37, 128], strides = [1, 1]} : vector<43x128xf32> to vector<37x128xf32>
    %dot_general3A_98 = arith.constant dense<0.000000e+00> : vector<64x128xf32>
    %dot_general3A_99 = tpu.matmul %add3A_96, %slice3A_97, %dot_general3A_98 {dimension_numbers = #tpu.dot_dimension_numbers<[1], [0], [0], [1], [0, 0, 1, 1], [], []>, transpose_lhs_hint = false} : vector<64x37xf32>, vector<37x128xf32>, vector<64x128xf32> -> vector<64x128xf32>
    %slice3A_100 = vector.extract_strided_slice %get3A_1 {offsets = [37, 0], sizes = [6, 128], strides = [1, 1]} : vector<43x128xf32> to vector<6x128xf32>
    %dot_general3A_101 = arith.constant dense<0.000000e+00> : vector<64x128xf32>
    %dot_general3A_102 = tpu.matmul %reduce_sum3A_88, %slice3A_100, %dot_general3A_101 {dimension_numbers = #tpu.dot_dimension_numbers<[1], [0], [0], [1], [0, 0, 1, 1], [], []>, transpose_lhs_hint = false} : vector<64x6xf32>, vector<6x128xf32>, vector<64x128xf32> -> vector<64x128xf32>
    %add3A_103 = arith.addf %dot_general3A_99, %dot_general3A_102 : vector<64x128xf32>
    %get3A_104 = arith.constant 0 : index
    %get3A_105 = vector.load %arg5[%get3A_104] : memref<128xf32, #tpu.memory_space<vmem>>, vector<128xf32>
    %broadcast_in_dim3A_106 = vector.shape_cast %get3A_105 : vector<128xf32> to vector<1x128xf32>
    %add3A_107 = vector.broadcast %broadcast_in_dim3A_106 : vector<1x128xf32> to vector<64x128xf32>
    %add3A_108 = arith.addf %add3A_103, %add3A_107 : vector<64x128xf32>
    %max3A_109 = arith.constant 0.000000e+00 : f32
    %max3A_110 = vector.broadcast %max3A_109 : f32 to vector<64x128xf32>
    %max3A_111 = arith.maximumf %add3A_108, %max3A_110 : vector<64x128xf32>
    %dot_general3A_112 = arith.constant dense<0.000000e+00> : vector<64x128xf32>
    %dot_general3A_113 = tpu.matmul %get3A_93, %max3A_111, %dot_general3A_112 {dimension_numbers = #tpu.dot_dimension_numbers<[1], [0], [0], [1], [0, 0, 1, 1], [], []>, precision = #tpu.contract_precision<fp32>, transpose_lhs_hint = false} : vector<64x64xf32>, vector<64x128xf32>, vector<64x128xf32> -> vector<64x128xf32>
    %add3A_114 = arith.addf %max3A_111, %dot_general3A_113 : vector<64x128xf32>
    %slice3A_115 = vector.extract_strided_slice %get3A_4 {offsets = [0, 0], sizes = [128, 128], strides = [1, 1]} : vector<134x128xf32> to vector<128x128xf32>
    %dot_general3A_116 = arith.constant dense<0.000000e+00> : vector<64x128xf32>
    %dot_general3A_117 = tpu.matmul %add3A_114, %slice3A_115, %dot_general3A_116 {dimension_numbers = #tpu.dot_dimension_numbers<[1], [0], [0], [1], [0, 0, 1, 1], [], []>, transpose_lhs_hint = false} : vector<64x128xf32>, vector<128x128xf32>, vector<64x128xf32> -> vector<64x128xf32>
    %slice3A_118 = vector.extract_strided_slice %get3A_4 {offsets = [128, 0], sizes = [6, 128], strides = [1, 1]} : vector<134x128xf32> to vector<6x128xf32>
    %dot_general3A_119 = arith.constant dense<0.000000e+00> : vector<64x128xf32>
    %dot_general3A_120 = tpu.matmul %reduce_sum3A_88, %slice3A_118, %dot_general3A_119 {dimension_numbers = #tpu.dot_dimension_numbers<[1], [0], [0], [1], [0, 0, 1, 1], [], []>, transpose_lhs_hint = false} : vector<64x6xf32>, vector<6x128xf32>, vector<64x128xf32> -> vector<64x128xf32>
    %add3A_121 = arith.addf %dot_general3A_117, %dot_general3A_120 : vector<64x128xf32>
    %get3A_122 = arith.constant 0 : index
    %get3A_123 = vector.load %arg7[%get3A_122] : memref<128xf32, #tpu.memory_space<vmem>>, vector<128xf32>
    %broadcast_in_dim3A_124 = vector.shape_cast %get3A_123 : vector<128xf32> to vector<1x128xf32>
    %add3A_125 = vector.broadcast %broadcast_in_dim3A_124 : vector<1x128xf32> to vector<64x128xf32>
    %add3A_126 = arith.addf %add3A_121, %add3A_125 : vector<64x128xf32>
    %max3A_127 = arith.constant 0.000000e+00 : f32
    %max3A_128 = vector.broadcast %max3A_127 : f32 to vector<64x128xf32>
    %max3A_129 = arith.maximumf %add3A_126, %max3A_128 : vector<64x128xf32>
    %slice3A_130 = vector.extract_strided_slice %get3A_7 {offsets = [0, 0], sizes = [128, 128], strides = [1, 1]} : vector<134x128xf32> to vector<128x128xf32>
    %dot_general3A_131 = arith.constant dense<0.000000e+00> : vector<64x128xf32>
    %dot_general3A_132 = tpu.matmul %max3A_129, %slice3A_130, %dot_general3A_131 {dimension_numbers = #tpu.dot_dimension_numbers<[1], [0], [0], [1], [0, 0, 1, 1], [], []>, transpose_lhs_hint = false} : vector<64x128xf32>, vector<128x128xf32>, vector<64x128xf32> -> vector<64x128xf32>
    %slice3A_133 = vector.extract_strided_slice %get3A_7 {offsets = [128, 0], sizes = [6, 128], strides = [1, 1]} : vector<134x128xf32> to vector<6x128xf32>
    %dot_general3A_134 = arith.constant dense<0.000000e+00> : vector<64x128xf32>
    %dot_general3A_135 = tpu.matmul %reduce_sum3A_88, %slice3A_133, %dot_general3A_134 {dimension_numbers = #tpu.dot_dimension_numbers<[1], [0], [0], [1], [0, 0, 1, 1], [], []>, transpose_lhs_hint = false} : vector<64x6xf32>, vector<6x128xf32>, vector<64x128xf32> -> vector<64x128xf32>
    %add3A_136 = arith.addf %dot_general3A_132, %dot_general3A_135 : vector<64x128xf32>
    %get3A_137 = arith.constant 0 : index
    %get3A_138 = vector.load %arg9[%get3A_137] : memref<128xf32, #tpu.memory_space<vmem>>, vector<128xf32>
    %broadcast_in_dim3A_139 = vector.shape_cast %get3A_138 : vector<128xf32> to vector<1x128xf32>
    %add3A_140 = vector.broadcast %broadcast_in_dim3A_139 : vector<1x128xf32> to vector<64x128xf32>
    %add3A_141 = arith.addf %add3A_136, %add3A_140 : vector<64x128xf32>
    %tanh3A_142 = math.tanh %add3A_141 : vector<64x128xf32>
    %reduce_sum3A_143 = arith.constant dense<0.000000e+00> : vector<128xf32>
    %reduce_sum3A_144 = vector.multi_reduction <add>, %tanh3A_142, %reduce_sum3A_143 [0] : vector<64x128xf32> to vector<128xf32>
    %broadcast_in_dim3A_145 = vector.shape_cast %reduce_sum3A_144 : vector<128xf32> to vector<1x128xf32>
    %swap3A_146 = arith.constant 1 : index
    %swap3A_147 = arith.constant 0 : index
    %swap3A_148 = arith.constant 0 : index
    %swap3A_149 = vector.load %arg10[%swap3A_146, %swap3A_147, %swap3A_148] : memref<8x1x128xf32, #tpu.memory_space<vmem>>, vector<1x1x128xf32>
    %swap3A_150 = vector.shape_cast %swap3A_149 : vector<1x1x128xf32> to vector<1x128xf32>
    %swap3A_151 = vector.shape_cast %broadcast_in_dim3A_145 : vector<1x128xf32> to vector<1x1x128xf32>
    tpu.vector_store %arg10[%swap3A_146, %swap3A_147, %swap3A_148], %swap3A_151 {strides = array<i32>} : memref<8x1x128xf32, #tpu.memory_space<vmem>>, vector<1x1x128xf32>,
    %get3A_152 = arith.constant 2 : index
    %get3A_153 = arith.constant 0 : index
    %get3A_154 = arith.constant 0 : index
    %get3A_155 = vector.load %arg1[%get3A_152, %get3A_153, %get3A_154] : memref<8x64x37xf32, #tpu.memory_space<vmem>>, vector<1x64x37xf32>
    %get3A_156 = vector.shape_cast %get3A_155 : vector<1x64x37xf32> to vector<64x37xf32>
    %get3A_157 = arith.constant 2 : index
    %get3A_158 = arith.constant 0 : index
    %get3A_159 = arith.constant 0 : index
    %get3A_160 = arith.constant 0 : index
    %get3A_161 = vector.load %arg2[%get3A_157, %get3A_158, %get3A_159, %get3A_160] : memref<8x64x6x6xf32, #tpu.memory_space<vmem>>, vector<1x64x6x6xf32>
    %get3A_162 = vector.shape_cast %get3A_161 : vector<1x64x6x6xf32> to vector<64x6x6xf32>
    %reduce_sum3A_163 = arith.constant dense<0.000000e+00> : vector<64x6xf32>
    %reduce_sum3A_164 = vector.multi_reduction <add>, %get3A_162, %reduce_sum3A_163 [1] : vector<64x6x6xf32> to vector<64x6xf32>
    %get3A_165 = arith.constant 2 : index
    %get3A_166 = arith.constant 0 : index
    %get3A_167 = arith.constant 0 : index
    %get3A_168 = vector.load %arg3[%get3A_165, %get3A_166, %get3A_167] : memref<8x64x64xf32, #tpu.memory_space<vmem>>, vector<1x64x64xf32>
    %get3A_169 = vector.shape_cast %get3A_168 : vector<1x64x64xf32> to vector<64x64xf32>
    %dot_general3A_170 = arith.constant dense<0.000000e+00> : vector<64x37xf32>
    %dot_general3A_171 = tpu.matmul %get3A_169, %get3A_156, %dot_general3A_170 {dimension_numbers = #tpu.dot_dimension_numbers<[1], [0], [0], [1], [0, 0, 1, 1], [], []>, precision = #tpu.contract_precision<fp32>, transpose_lhs_hint = false} : vector<64x64xf32>, vector<64x37xf32>, vector<64x37xf32> -> vector<64x37xf32>
    %add3A_172 = arith.addf %get3A_156, %dot_general3A_171 : vector<64x37xf32>
    %slice3A_173 = vector.extract_strided_slice %get3A_1 {offsets = [0, 0], sizes = [37, 128], strides = [1, 1]} : vector<43x128xf32> to vector<37x128xf32>
    %dot_general3A_174 = arith.constant dense<0.000000e+00> : vector<64x128xf32>
    %dot_general3A_175 = tpu.matmul %add3A_172, %slice3A_173, %dot_general3A_174 {dimension_numbers = #tpu.dot_dimension_numbers<[1], [0], [0], [1], [0, 0, 1, 1], [], []>, transpose_lhs_hint = false} : vector<64x37xf32>, vector<37x128xf32>, vector<64x128xf32> -> vector<64x128xf32>
    %slice3A_176 = vector.extract_strided_slice %get3A_1 {offsets = [37, 0], sizes = [6, 128], strides = [1, 1]} : vector<43x128xf32> to vector<6x128xf32>
    %dot_general3A_177 = arith.constant dense<0.000000e+00> : vector<64x128xf32>
    %dot_general3A_178 = tpu.matmul %reduce_sum3A_164, %slice3A_176, %dot_general3A_177 {dimension_numbers = #tpu.dot_dimension_numbers<[1], [0], [0], [1], [0, 0, 1, 1], [], []>, transpose_lhs_hint = false} : vector<64x6xf32>, vector<6x128xf32>, vector<64x128xf32> -> vector<64x128xf32>
    %add3A_179 = arith.addf %dot_general3A_175, %dot_general3A_178 : vector<64x128xf32>
    %get3A_180 = arith.constant 0 : index
    %get3A_181 = vector.load %arg5[%get3A_180] : memref<128xf32, #tpu.memory_space<vmem>>, vector<128xf32>
    %broadcast_in_dim3A_182 = vector.shape_cast %get3A_181 : vector<128xf32> to vector<1x128xf32>
    %add3A_183 = vector.broadcast %broadcast_in_dim3A_182 : vector<1x128xf32> to vector<64x128xf32>
    %add3A_184 = arith.addf %add3A_179, %add3A_183 : vector<64x128xf32>
    %max3A_185 = arith.constant 0.000000e+00 : f32
    %max3A_186 = vector.broadcast %max3A_185 : f32 to vector<64x128xf32>
    %max3A_187 = arith.maximumf %add3A_184, %max3A_186 : vector<64x128xf32>
    %dot_general3A_188 = arith.constant dense<0.000000e+00> : vector<64x128xf32>
    %dot_general3A_189 = tpu.matmul %get3A_169, %max3A_187, %dot_general3A_188 {dimension_numbers = #tpu.dot_dimension_numbers<[1], [0], [0], [1], [0, 0, 1, 1], [], []>, precision = #tpu.contract_precision<fp32>, transpose_lhs_hint = false} : vector<64x64xf32>, vector<64x128xf32>, vector<64x128xf32> -> vector<64x128xf32>
    %add3A_190 = arith.addf %max3A_187, %dot_general3A_189 : vector<64x128xf32>
    %slice3A_191 = vector.extract_strided_slice %get3A_4 {offsets = [0, 0], sizes = [128, 128], strides = [1, 1]} : vector<134x128xf32> to vector<128x128xf32>
    %dot_general3A_192 = arith.constant dense<0.000000e+00> : vector<64x128xf32>
    %dot_general3A_193 = tpu.matmul %add3A_190, %slice3A_191, %dot_general3A_192 {dimension_numbers = #tpu.dot_dimension_numbers<[1], [0], [0], [1], [0, 0, 1, 1], [], []>, transpose_lhs_hint = false} : vector<64x128xf32>, vector<128x128xf32>, vector<64x128xf32> -> vector<64x128xf32>
    %slice3A_194 = vector.extract_strided_slice %get3A_4 {offsets = [128, 0], sizes = [6, 128], strides = [1, 1]} : vector<134x128xf32> to vector<6x128xf32>
    %dot_general3A_195 = arith.constant dense<0.000000e+00> : vector<64x128xf32>
    %dot_general3A_196 = tpu.matmul %reduce_sum3A_164, %slice3A_194, %dot_general3A_195 {dimension_numbers = #tpu.dot_dimension_numbers<[1], [0], [0], [1], [0, 0, 1, 1], [], []>, transpose_lhs_hint = false} : vector<64x6xf32>, vector<6x128xf32>, vector<64x128xf32> -> vector<64x128xf32>
    %add3A_197 = arith.addf %dot_general3A_193, %dot_general3A_196 : vector<64x128xf32>
    %get3A_198 = arith.constant 0 : index
    %get3A_199 = vector.load %arg7[%get3A_198] : memref<128xf32, #tpu.memory_space<vmem>>, vector<128xf32>
    %broadcast_in_dim3A_200 = vector.shape_cast %get3A_199 : vector<128xf32> to vector<1x128xf32>
    %add3A_201 = vector.broadcast %broadcast_in_dim3A_200 : vector<1x128xf32> to vector<64x128xf32>
    %add3A_202 = arith.addf %add3A_197, %add3A_201 : vector<64x128xf32>
    %max3A_203 = arith.constant 0.000000e+00 : f32
    %max3A_204 = vector.broadcast %max3A_203 : f32 to vector<64x128xf32>
    %max3A_205 = arith.maximumf %add3A_202, %max3A_204 : vector<64x128xf32>
    %slice3A_206 = vector.extract_strided_slice %get3A_7 {offsets = [0, 0], sizes = [128, 128], strides = [1, 1]} : vector<134x128xf32> to vector<128x128xf32>
    %dot_general3A_207 = arith.constant dense<0.000000e+00> : vector<64x128xf32>
    %dot_general3A_208 = tpu.matmul %max3A_205, %slice3A_206, %dot_general3A_207 {dimension_numbers = #tpu.dot_dimension_numbers<[1], [0], [0], [1], [0, 0, 1, 1], [], []>, transpose_lhs_hint = false} : vector<64x128xf32>, vector<128x128xf32>, vector<64x128xf32> -> vector<64x128xf32>
    %slice3A_209 = vector.extract_strided_slice %get3A_7 {offsets = [128, 0], sizes = [6, 128], strides = [1, 1]} : vector<134x128xf32> to vector<6x128xf32>
    %dot_general3A_210 = arith.constant dense<0.000000e+00> : vector<64x128xf32>
    %dot_general3A_211 = tpu.matmul %reduce_sum3A_164, %slice3A_209, %dot_general3A_210 {dimension_numbers = #tpu.dot_dimension_numbers<[1], [0], [0], [1], [0, 0, 1, 1], [], []>, transpose_lhs_hint = false} : vector<64x6xf32>, vector<6x128xf32>, vector<64x128xf32> -> vector<64x128xf32>
    %add3A_212 = arith.addf %dot_general3A_208, %dot_general3A_211 : vector<64x128xf32>
    %get3A_213 = arith.constant 0 : index
    %get3A_214 = vector.load %arg9[%get3A_213] : memref<128xf32, #tpu.memory_space<vmem>>, vector<128xf32>
    %broadcast_in_dim3A_215 = vector.shape_cast %get3A_214 : vector<128xf32> to vector<1x128xf32>
    %add3A_216 = vector.broadcast %broadcast_in_dim3A_215 : vector<1x128xf32> to vector<64x128xf32>
    %add3A_217 = arith.addf %add3A_212, %add3A_216 : vector<64x128xf32>
    %tanh3A_218 = math.tanh %add3A_217 : vector<64x128xf32>
    %reduce_sum3A_219 = arith.constant dense<0.000000e+00> : vector<128xf32>
    %reduce_sum3A_220 = vector.multi_reduction <add>, %tanh3A_218, %reduce_sum3A_219 [0] : vector<64x128xf32> to vector<128xf32>
    %broadcast_in_dim3A_221 = vector.shape_cast %reduce_sum3A_220 : vector<128xf32> to vector<1x128xf32>
    %swap3A_222 = arith.constant 2 : index
    %swap3A_223 = arith.constant 0 : index
    %swap3A_224 = arith.constant 0 : index
    %swap3A_225 = vector.load %arg10[%swap3A_222, %swap3A_223, %swap3A_224] : memref<8x1x128xf32, #tpu.memory_space<vmem>>, vector<1x1x128xf32>
    %swap3A_226 = vector.shape_cast %swap3A_225 : vector<1x1x128xf32> to vector<1x128xf32>
    %swap3A_227 = vector.shape_cast %broadcast_in_dim3A_221 : vector<1x128xf32> to vector<1x1x128xf32>
    tpu.vector_store %arg10[%swap3A_222, %swap3A_223, %swap3A_224], %swap3A_227 {strides = array<i32>} : memref<8x1x128xf32, #tpu.memory_space<vmem>>, vector<1x1x128xf32>,
    %get3A_228 = arith.constant 3 : index
    %get3A_229 = arith.constant 0 : index
    %get3A_230 = arith.constant 0 : index
    %get3A_231 = vector.load %arg1[%get3A_228, %get3A_229, %get3A_230] : memref<8x64x37xf32, #tpu.memory_space<vmem>>, vector<1x64x37xf32>
    %get3A_232 = vector.shape_cast %get3A_231 : vector<1x64x37xf32> to vector<64x37xf32>
    %get3A_233 = arith.constant 3 : index
    %get3A_234 = arith.constant 0 : index
    %get3A_235 = arith.constant 0 : index
    %get3A_236 = arith.constant 0 : index
    %get3A_237 = vector.load %arg2[%get3A_233, %get3A_234, %get3A_235, %get3A_236] : memref<8x64x6x6xf32, #tpu.memory_space<vmem>>, vector<1x64x6x6xf32>
    %get3A_238 = vector.shape_cast %get3A_237 : vector<1x64x6x6xf32> to vector<64x6x6xf32>
    %reduce_sum3A_239 = arith.constant dense<0.000000e+00> : vector<64x6xf32>
    %reduce_sum3A_240 = vector.multi_reduction <add>, %get3A_238, %reduce_sum3A_239 [1] : vector<64x6x6xf32> to vector<64x6xf32>
    %get3A_241 = arith.constant 3 : index
    %get3A_242 = arith.constant 0 : index
    %get3A_243 = arith.constant 0 : index
    %get3A_244 = vector.load %arg3[%get3A_241, %get3A_242, %get3A_243] : memref<8x64x64xf32, #tpu.memory_space<vmem>>, vector<1x64x64xf32>
    %get3A_245 = vector.shape_cast %get3A_244 : vector<1x64x64xf32> to vector<64x64xf32>
    %dot_general3A_246 = arith.constant dense<0.000000e+00> : vector<64x37xf32>
    %dot_general3A_247 = tpu.matmul %get3A_245, %get3A_232, %dot_general3A_246 {dimension_numbers = #tpu.dot_dimension_numbers<[1], [0], [0], [1], [0, 0, 1, 1], [], []>, precision = #tpu.contract_precision<fp32>, transpose_lhs_hint = false} : vector<64x64xf32>, vector<64x37xf32>, vector<64x37xf32> -> vector<64x37xf32>
    %add3A_248 = arith.addf %get3A_232, %dot_general3A_247 : vector<64x37xf32>
    %slice3A_249 = vector.extract_strided_slice %get3A_1 {offsets = [0, 0], sizes = [37, 128], strides = [1, 1]} : vector<43x128xf32> to vector<37x128xf32>
    %dot_general3A_250 = arith.constant dense<0.000000e+00> : vector<64x128xf32>
    %dot_general3A_251 = tpu.matmul %add3A_248, %slice3A_249, %dot_general3A_250 {dimension_numbers = #tpu.dot_dimension_numbers<[1], [0], [0], [1], [0, 0, 1, 1], [], []>, transpose_lhs_hint = false} : vector<64x37xf32>, vector<37x128xf32>, vector<64x128xf32> -> vector<64x128xf32>
    %slice3A_252 = vector.extract_strided_slice %get3A_1 {offsets = [37, 0], sizes = [6, 128], strides = [1, 1]} : vector<43x128xf32> to vector<6x128xf32>
    %dot_general3A_253 = arith.constant dense<0.000000e+00> : vector<64x128xf32>
    %dot_general3A_254 = tpu.matmul %reduce_sum3A_240, %slice3A_252, %dot_general3A_253 {dimension_numbers = #tpu.dot_dimension_numbers<[1], [0], [0], [1], [0, 0, 1, 1], [], []>, transpose_lhs_hint = false} : vector<64x6xf32>, vector<6x128xf32>, vector<64x128xf32> -> vector<64x128xf32>
    %add3A_255 = arith.addf %dot_general3A_251, %dot_general3A_254 : vector<64x128xf32>
    %get3A_256 = arith.constant 0 : index
    %get3A_257 = vector.load %arg5[%get3A_256] : memref<128xf32, #tpu.memory_space<vmem>>, vector<128xf32>
    %broadcast_in_dim3A_258 = vector.shape_cast %get3A_257 : vector<128xf32> to vector<1x128xf32>
    %add3A_259 = vector.broadcast %broadcast_in_dim3A_258 : vector<1x128xf32> to vector<64x128xf32>
    %add3A_260 = arith.addf %add3A_255, %add3A_259 : vector<64x128xf32>
    %max3A_261 = arith.constant 0.000000e+00 : f32
    %max3A_262 = vector.broadcast %max3A_261 : f32 to vector<64x128xf32>
    %max3A_263 = arith.maximumf %add3A_260, %max3A_262 : vector<64x128xf32>
    %dot_general3A_264 = arith.constant dense<0.000000e+00> : vector<64x128xf32>
    %dot_general3A_265 = tpu.matmul %get3A_245, %max3A_263, %dot_general3A_264 {dimension_numbers = #tpu.dot_dimension_numbers<[1], [0], [0], [1], [0, 0, 1, 1], [], []>, precision = #tpu.contract_precision<fp32>, transpose_lhs_hint = false} : vector<64x64xf32>, vector<64x128xf32>, vector<64x128xf32> -> vector<64x128xf32>
    %add3A_266 = arith.addf %max3A_263, %dot_general3A_265 : vector<64x128xf32>
    %slice3A_267 = vector.extract_strided_slice %get3A_4 {offsets = [0, 0], sizes = [128, 128], strides = [1, 1]} : vector<134x128xf32> to vector<128x128xf32>
    %dot_general3A_268 = arith.constant dense<0.000000e+00> : vector<64x128xf32>
    %dot_general3A_269 = tpu.matmul %add3A_266, %slice3A_267, %dot_general3A_268 {dimension_numbers = #tpu.dot_dimension_numbers<[1], [0], [0], [1], [0, 0, 1, 1], [], []>, transpose_lhs_hint = false} : vector<64x128xf32>, vector<128x128xf32>, vector<64x128xf32> -> vector<64x128xf32>
    %slice3A_270 = vector.extract_strided_slice %get3A_4 {offsets = [128, 0], sizes = [6, 128], strides = [1, 1]} : vector<134x128xf32> to vector<6x128xf32>
    %dot_general3A_271 = arith.constant dense<0.000000e+00> : vector<64x128xf32>
    %dot_general3A_272 = tpu.matmul %reduce_sum3A_240, %slice3A_270, %dot_general3A_271 {dimension_numbers = #tpu.dot_dimension_numbers<[1], [0], [0], [1], [0, 0, 1, 1], [], []>, transpose_lhs_hint = false} : vector<64x6xf32>, vector<6x128xf32>, vector<64x128xf32> -> vector<64x128xf32>
    %add3A_273 = arith.addf %dot_general3A_269, %dot_general3A_272 : vector<64x128xf32>
    %get3A_274 = arith.constant 0 : index
    %get3A_275 = vector.load %arg7[%get3A_274] : memref<128xf32, #tpu.memory_space<vmem>>, vector<128xf32>
    %broadcast_in_dim3A_276 = vector.shape_cast %get3A_275 : vector<128xf32> to vector<1x128xf32>
    %add3A_277 = vector.broadcast %broadcast_in_dim3A_276 : vector<1x128xf32> to vector<64x128xf32>
    %add3A_278 = arith.addf %add3A_273, %add3A_277 : vector<64x128xf32>
    %max3A_279 = arith.constant 0.000000e+00 : f32
    %max3A_280 = vector.broadcast %max3A_279 : f32 to vector<64x128xf32>
    %max3A_281 = arith.maximumf %add3A_278, %max3A_280 : vector<64x128xf32>
    %slice3A_282 = vector.extract_strided_slice %get3A_7 {offsets = [0, 0], sizes = [128, 128], strides = [1, 1]} : vector<134x128xf32> to vector<128x128xf32>
    %dot_general3A_283 = arith.constant dense<0.000000e+00> : vector<64x128xf32>
    %dot_general3A_284 = tpu.matmul %max3A_281, %slice3A_282, %dot_general3A_283 {dimension_numbers = #tpu.dot_dimension_numbers<[1], [0], [0], [1], [0, 0, 1, 1], [], []>, transpose_lhs_hint = false} : vector<64x128xf32>, vector<128x128xf32>, vector<64x128xf32> -> vector<64x128xf32>
    %slice3A_285 = vector.extract_strided_slice %get3A_7 {offsets = [128, 0], sizes = [6, 128], strides = [1, 1]} : vector<134x128xf32> to vector<6x128xf32>
    %dot_general3A_286 = arith.constant dense<0.000000e+00> : vector<64x128xf32>
    %dot_general3A_287 = tpu.matmul %reduce_sum3A_240, %slice3A_285, %dot_general3A_286 {dimension_numbers = #tpu.dot_dimension_numbers<[1], [0], [0], [1], [0, 0, 1, 1], [], []>, transpose_lhs_hint = false} : vector<64x6xf32>, vector<6x128xf32>, vector<64x128xf32> -> vector<64x128xf32>
    %add3A_288 = arith.addf %dot_general3A_284, %dot_general3A_287 : vector<64x128xf32>
    %get3A_289 = arith.constant 0 : index
    %get3A_290 = vector.load %arg9[%get3A_289] : memref<128xf32, #tpu.memory_space<vmem>>, vector<128xf32>
    %broadcast_in_dim3A_291 = vector.shape_cast %get3A_290 : vector<128xf32> to vector<1x128xf32>
    %add3A_292 = vector.broadcast %broadcast_in_dim3A_291 : vector<1x128xf32> to vector<64x128xf32>
    %add3A_293 = arith.addf %add3A_288, %add3A_292 : vector<64x128xf32>
    %tanh3A_294 = math.tanh %add3A_293 : vector<64x128xf32>
    %reduce_sum3A_295 = arith.constant dense<0.000000e+00> : vector<128xf32>
    %reduce_sum3A_296 = vector.multi_reduction <add>, %tanh3A_294, %reduce_sum3A_295 [0] : vector<64x128xf32> to vector<128xf32>
    %broadcast_in_dim3A_297 = vector.shape_cast %reduce_sum3A_296 : vector<128xf32> to vector<1x128xf32>
    %swap3A_298 = arith.constant 3 : index
    %swap3A_299 = arith.constant 0 : index
    %swap3A_300 = arith.constant 0 : index
    %swap3A_301 = vector.load %arg10[%swap3A_298, %swap3A_299, %swap3A_300] : memref<8x1x128xf32, #tpu.memory_space<vmem>>, vector<1x1x128xf32>
    %swap3A_302 = vector.shape_cast %swap3A_301 : vector<1x1x128xf32> to vector<1x128xf32>
    %swap3A_303 = vector.shape_cast %broadcast_in_dim3A_297 : vector<1x128xf32> to vector<1x1x128xf32>
    tpu.vector_store %arg10[%swap3A_298, %swap3A_299, %swap3A_300], %swap3A_303 {strides = array<i32>} : memref<8x1x128xf32, #tpu.memory_space<vmem>>, vector<1x1x128xf32>,
    %get3A_304 = arith.constant 4 : index
    %get3A_305 = arith.constant 0 : index
    %get3A_306 = arith.constant 0 : index
    %get3A_307 = vector.load %arg1[%get3A_304, %get3A_305, %get3A_306] : memref<8x64x37xf32, #tpu.memory_space<vmem>>, vector<1x64x37xf32>
    %get3A_308 = vector.shape_cast %get3A_307 : vector<1x64x37xf32> to vector<64x37xf32>
    %get3A_309 = arith.constant 4 : index
    %get3A_310 = arith.constant 0 : index
    %get3A_311 = arith.constant 0 : index
    %get3A_312 = arith.constant 0 : index
    %get3A_313 = vector.load %arg2[%get3A_309, %get3A_310, %get3A_311, %get3A_312] : memref<8x64x6x6xf32, #tpu.memory_space<vmem>>, vector<1x64x6x6xf32>
    %get3A_314 = vector.shape_cast %get3A_313 : vector<1x64x6x6xf32> to vector<64x6x6xf32>
    %reduce_sum3A_315 = arith.constant dense<0.000000e+00> : vector<64x6xf32>
    %reduce_sum3A_316 = vector.multi_reduction <add>, %get3A_314, %reduce_sum3A_315 [1] : vector<64x6x6xf32> to vector<64x6xf32>
    %get3A_317 = arith.constant 4 : index
    %get3A_318 = arith.constant 0 : index
    %get3A_319 = arith.constant 0 : index
    %get3A_320 = vector.load %arg3[%get3A_317, %get3A_318, %get3A_319] : memref<8x64x64xf32, #tpu.memory_space<vmem>>, vector<1x64x64xf32>
    %get3A_321 = vector.shape_cast %get3A_320 : vector<1x64x64xf32> to vector<64x64xf32>
    %dot_general3A_322 = arith.constant dense<0.000000e+00> : vector<64x37xf32>
    %dot_general3A_323 = tpu.matmul %get3A_321, %get3A_308, %dot_general3A_322 {dimension_numbers = #tpu.dot_dimension_numbers<[1], [0], [0], [1], [0, 0, 1, 1], [], []>, precision = #tpu.contract_precision<fp32>, transpose_lhs_hint = false} : vector<64x64xf32>, vector<64x37xf32>, vector<64x37xf32> -> vector<64x37xf32>
    %add3A_324 = arith.addf %get3A_308, %dot_general3A_323 : vector<64x37xf32>
    %slice3A_325 = vector.extract_strided_slice %get3A_1 {offsets = [0, 0], sizes = [37, 128], strides = [1, 1]} : vector<43x128xf32> to vector<37x128xf32>
    %dot_general3A_326 = arith.constant dense<0.000000e+00> : vector<64x128xf32>
    %dot_general3A_327 = tpu.matmul %add3A_324, %slice3A_325, %dot_general3A_326 {dimension_numbers = #tpu.dot_dimension_numbers<[1], [0], [0], [1], [0, 0, 1, 1], [], []>, transpose_lhs_hint = false} : vector<64x37xf32>, vector<37x128xf32>, vector<64x128xf32> -> vector<64x128xf32>
    %slice3A_328 = vector.extract_strided_slice %get3A_1 {offsets = [37, 0], sizes = [6, 128], strides = [1, 1]} : vector<43x128xf32> to vector<6x128xf32>
    %dot_general3A_329 = arith.constant dense<0.000000e+00> : vector<64x128xf32>
    %dot_general3A_330 = tpu.matmul %reduce_sum3A_316, %slice3A_328, %dot_general3A_329 {dimension_numbers = #tpu.dot_dimension_numbers<[1], [0], [0], [1], [0, 0, 1, 1], [], []>, transpose_lhs_hint = false} : vector<64x6xf32>, vector<6x128xf32>, vector<64x128xf32> -> vector<64x128xf32>
    %add3A_331 = arith.addf %dot_general3A_327, %dot_general3A_330 : vector<64x128xf32>
    %get3A_332 = arith.constant 0 : index
    %get3A_333 = vector.load %arg5[%get3A_332] : memref<128xf32, #tpu.memory_space<vmem>>, vector<128xf32>
    %broadcast_in_dim3A_334 = vector.shape_cast %get3A_333 : vector<128xf32> to vector<1x128xf32>
    %add3A_335 = vector.broadcast %broadcast_in_dim3A_334 : vector<1x128xf32> to vector<64x128xf32>
    %add3A_336 = arith.addf %add3A_331, %add3A_335 : vector<64x128xf32>
    %max3A_337 = arith.constant 0.000000e+00 : f32
    %max3A_338 = vector.broadcast %max3A_337 : f32 to vector<64x128xf32>
    %max3A_339 = arith.maximumf %add3A_336, %max3A_338 : vector<64x128xf32>
    %dot_general3A_340 = arith.constant dense<0.000000e+00> : vector<64x128xf32>
    %dot_general3A_341 = tpu.matmul %get3A_321, %max3A_339, %dot_general3A_340 {dimension_numbers = #tpu.dot_dimension_numbers<[1], [0], [0], [1], [0, 0, 1, 1], [], []>, precision = #tpu.contract_precision<fp32>, transpose_lhs_hint = false} : vector<64x64xf32>, vector<64x128xf32>, vector<64x128xf32> -> vector<64x128xf32>
    %add3A_342 = arith.addf %max3A_339, %dot_general3A_341 : vector<64x128xf32>
    %slice3A_343 = vector.extract_strided_slice %get3A_4 {offsets = [0, 0], sizes = [128, 128], strides = [1, 1]} : vector<134x128xf32> to vector<128x128xf32>
    %dot_general3A_344 = arith.constant dense<0.000000e+00> : vector<64x128xf32>
    %dot_general3A_345 = tpu.matmul %add3A_342, %slice3A_343, %dot_general3A_344 {dimension_numbers = #tpu.dot_dimension_numbers<[1], [0], [0], [1], [0, 0, 1, 1], [], []>, transpose_lhs_hint = false} : vector<64x128xf32>, vector<128x128xf32>, vector<64x128xf32> -> vector<64x128xf32>
    %slice3A_346 = vector.extract_strided_slice %get3A_4 {offsets = [128, 0], sizes = [6, 128], strides = [1, 1]} : vector<134x128xf32> to vector<6x128xf32>
    %dot_general3A_347 = arith.constant dense<0.000000e+00> : vector<64x128xf32>
    %dot_general3A_348 = tpu.matmul %reduce_sum3A_316, %slice3A_346, %dot_general3A_347 {dimension_numbers = #tpu.dot_dimension_numbers<[1], [0], [0], [1], [0, 0, 1, 1], [], []>, transpose_lhs_hint = false} : vector<64x6xf32>, vector<6x128xf32>, vector<64x128xf32> -> vector<64x128xf32>
    %add3A_349 = arith.addf %dot_general3A_345, %dot_general3A_348 : vector<64x128xf32>
    %get3A_350 = arith.constant 0 : index
    %get3A_351 = vector.load %arg7[%get3A_350] : memref<128xf32, #tpu.memory_space<vmem>>, vector<128xf32>
    %broadcast_in_dim3A_352 = vector.shape_cast %get3A_351 : vector<128xf32> to vector<1x128xf32>
    %add3A_353 = vector.broadcast %broadcast_in_dim3A_352 : vector<1x128xf32> to vector<64x128xf32>
    %add3A_354 = arith.addf %add3A_349, %add3A_353 : vector<64x128xf32>
    %max3A_355 = arith.constant 0.000000e+00 : f32
    %max3A_356 = vector.broadcast %max3A_355 : f32 to vector<64x128xf32>
    %max3A_357 = arith.maximumf %add3A_354, %max3A_356 : vector<64x128xf32>
    %slice3A_358 = vector.extract_strided_slice %get3A_7 {offsets = [0, 0], sizes = [128, 128], strides = [1, 1]} : vector<134x128xf32> to vector<128x128xf32>
    %dot_general3A_359 = arith.constant dense<0.000000e+00> : vector<64x128xf32>
    %dot_general3A_360 = tpu.matmul %max3A_357, %slice3A_358, %dot_general3A_359 {dimension_numbers = #tpu.dot_dimension_numbers<[1], [0], [0], [1], [0, 0, 1, 1], [], []>, transpose_lhs_hint = false} : vector<64x128xf32>, vector<128x128xf32>, vector<64x128xf32> -> vector<64x128xf32>
    %slice3A_361 = vector.extract_strided_slice %get3A_7 {offsets = [128, 0], sizes = [6, 128], strides = [1, 1]} : vector<134x128xf32> to vector<6x128xf32>
    %dot_general3A_362 = arith.constant dense<0.000000e+00> : vector<64x128xf32>
    %dot_general3A_363 = tpu.matmul %reduce_sum3A_316, %slice3A_361, %dot_general3A_362 {dimension_numbers = #tpu.dot_dimension_numbers<[1], [0], [0], [1], [0, 0, 1, 1], [], []>, transpose_lhs_hint = false} : vector<64x6xf32>, vector<6x128xf32>, vector<64x128xf32> -> vector<64x128xf32>
    %add3A_364 = arith.addf %dot_general3A_360, %dot_general3A_363 : vector<64x128xf32>
    %get3A_365 = arith.constant 0 : index
    %get3A_366 = vector.load %arg9[%get3A_365] : memref<128xf32, #tpu.memory_space<vmem>>, vector<128xf32>
    %broadcast_in_dim3A_367 = vector.shape_cast %get3A_366 : vector<128xf32> to vector<1x128xf32>
    %add3A_368 = vector.broadcast %broadcast_in_dim3A_367 : vector<1x128xf32> to vector<64x128xf32>
    %add3A_369 = arith.addf %add3A_364, %add3A_368 : vector<64x128xf32>
    %tanh3A_370 = math.tanh %add3A_369 : vector<64x128xf32>
    %reduce_sum3A_371 = arith.constant dense<0.000000e+00> : vector<128xf32>
    %reduce_sum3A_372 = vector.multi_reduction <add>, %tanh3A_370, %reduce_sum3A_371 [0] : vector<64x128xf32> to vector<128xf32>
    %broadcast_in_dim3A_373 = vector.shape_cast %reduce_sum3A_372 : vector<128xf32> to vector<1x128xf32>
    %swap3A_374 = arith.constant 4 : index
    %swap3A_375 = arith.constant 0 : index
    %swap3A_376 = arith.constant 0 : index
    %swap3A_377 = vector.load %arg10[%swap3A_374, %swap3A_375, %swap3A_376] : memref<8x1x128xf32, #tpu.memory_space<vmem>>, vector<1x1x128xf32>
    %swap3A_378 = vector.shape_cast %swap3A_377 : vector<1x1x128xf32> to vector<1x128xf32>
    %swap3A_379 = vector.shape_cast %broadcast_in_dim3A_373 : vector<1x128xf32> to vector<1x1x128xf32>
    tpu.vector_store %arg10[%swap3A_374, %swap3A_375, %swap3A_376], %swap3A_379 {strides = array<i32>} : memref<8x1x128xf32, #tpu.memory_space<vmem>>, vector<1x1x128xf32>,
    %get3A_380 = arith.constant 5 : index
    %get3A_381 = arith.constant 0 : index
    %get3A_382 = arith.constant 0 : index
    %get3A_383 = vector.load %arg1[%get3A_380, %get3A_381, %get3A_382] : memref<8x64x37xf32, #tpu.memory_space<vmem>>, vector<1x64x37xf32>
    %get3A_384 = vector.shape_cast %get3A_383 : vector<1x64x37xf32> to vector<64x37xf32>
    %get3A_385 = arith.constant 5 : index
    %get3A_386 = arith.constant 0 : index
    %get3A_387 = arith.constant 0 : index
    %get3A_388 = arith.constant 0 : index
    %get3A_389 = vector.load %arg2[%get3A_385, %get3A_386, %get3A_387, %get3A_388] : memref<8x64x6x6xf32, #tpu.memory_space<vmem>>, vector<1x64x6x6xf32>
    %get3A_390 = vector.shape_cast %get3A_389 : vector<1x64x6x6xf32> to vector<64x6x6xf32>
    %reduce_sum3A_391 = arith.constant dense<0.000000e+00> : vector<64x6xf32>
    %reduce_sum3A_392 = vector.multi_reduction <add>, %get3A_390, %reduce_sum3A_391 [1] : vector<64x6x6xf32> to vector<64x6xf32>
    %get3A_393 = arith.constant 5 : index
    %get3A_394 = arith.constant 0 : index
    %get3A_395 = arith.constant 0 : index
    %get3A_396 = vector.load %arg3[%get3A_393, %get3A_394, %get3A_395] : memref<8x64x64xf32, #tpu.memory_space<vmem>>, vector<1x64x64xf32>
    %get3A_397 = vector.shape_cast %get3A_396 : vector<1x64x64xf32> to vector<64x64xf32>
    %dot_general3A_398 = arith.constant dense<0.000000e+00> : vector<64x37xf32>
    %dot_general3A_399 = tpu.matmul %get3A_397, %get3A_384, %dot_general3A_398 {dimension_numbers = #tpu.dot_dimension_numbers<[1], [0], [0], [1], [0, 0, 1, 1], [], []>, precision = #tpu.contract_precision<fp32>, transpose_lhs_hint = false} : vector<64x64xf32>, vector<64x37xf32>, vector<64x37xf32> -> vector<64x37xf32>
    %add3A_400 = arith.addf %get3A_384, %dot_general3A_399 : vector<64x37xf32>
    %slice3A_401 = vector.extract_strided_slice %get3A_1 {offsets = [0, 0], sizes = [37, 128], strides = [1, 1]} : vector<43x128xf32> to vector<37x128xf32>
    %dot_general3A_402 = arith.constant dense<0.000000e+00> : vector<64x128xf32>
    %dot_general3A_403 = tpu.matmul %add3A_400, %slice3A_401, %dot_general3A_402 {dimension_numbers = #tpu.dot_dimension_numbers<[1], [0], [0], [1], [0, 0, 1, 1], [], []>, transpose_lhs_hint = false} : vector<64x37xf32>, vector<37x128xf32>, vector<64x128xf32> -> vector<64x128xf32>
    %slice3A_404 = vector.extract_strided_slice %get3A_1 {offsets = [37, 0], sizes = [6, 128], strides = [1, 1]} : vector<43x128xf32> to vector<6x128xf32>
    %dot_general3A_405 = arith.constant dense<0.000000e+00> : vector<64x128xf32>
    %dot_general3A_406 = tpu.matmul %reduce_sum3A_392, %slice3A_404, %dot_general3A_405 {dimension_numbers = #tpu.dot_dimension_numbers<[1], [0], [0], [1], [0, 0, 1, 1], [], []>, transpose_lhs_hint = false} : vector<64x6xf32>, vector<6x128xf32>, vector<64x128xf32> -> vector<64x128xf32>
    %add3A_407 = arith.addf %dot_general3A_403, %dot_general3A_406 : vector<64x128xf32>
    %get3A_408 = arith.constant 0 : index
    %get3A_409 = vector.load %arg5[%get3A_408] : memref<128xf32, #tpu.memory_space<vmem>>, vector<128xf32>
    %broadcast_in_dim3A_410 = vector.shape_cast %get3A_409 : vector<128xf32> to vector<1x128xf32>
    %add3A_411 = vector.broadcast %broadcast_in_dim3A_410 : vector<1x128xf32> to vector<64x128xf32>
    %add3A_412 = arith.addf %add3A_407, %add3A_411 : vector<64x128xf32>
    %max3A_413 = arith.constant 0.000000e+00 : f32
    %max3A_414 = vector.broadcast %max3A_413 : f32 to vector<64x128xf32>
    %max3A_415 = arith.maximumf %add3A_412, %max3A_414 : vector<64x128xf32>
    %dot_general3A_416 = arith.constant dense<0.000000e+00> : vector<64x128xf32>
    %dot_general3A_417 = tpu.matmul %get3A_397, %max3A_415, %dot_general3A_416 {dimension_numbers = #tpu.dot_dimension_numbers<[1], [0], [0], [1], [0, 0, 1, 1], [], []>, precision = #tpu.contract_precision<fp32>, transpose_lhs_hint = false} : vector<64x64xf32>, vector<64x128xf32>, vector<64x128xf32> -> vector<64x128xf32>
    %add3A_418 = arith.addf %max3A_415, %dot_general3A_417 : vector<64x128xf32>
    %slice3A_419 = vector.extract_strided_slice %get3A_4 {offsets = [0, 0], sizes = [128, 128], strides = [1, 1]} : vector<134x128xf32> to vector<128x128xf32>
    %dot_general3A_420 = arith.constant dense<0.000000e+00> : vector<64x128xf32>
    %dot_general3A_421 = tpu.matmul %add3A_418, %slice3A_419, %dot_general3A_420 {dimension_numbers = #tpu.dot_dimension_numbers<[1], [0], [0], [1], [0, 0, 1, 1], [], []>, transpose_lhs_hint = false} : vector<64x128xf32>, vector<128x128xf32>, vector<64x128xf32> -> vector<64x128xf32>
    %slice3A_422 = vector.extract_strided_slice %get3A_4 {offsets = [128, 0], sizes = [6, 128], strides = [1, 1]} : vector<134x128xf32> to vector<6x128xf32>
    %dot_general3A_423 = arith.constant dense<0.000000e+00> : vector<64x128xf32>
    %dot_general3A_424 = tpu.matmul %reduce_sum3A_392, %slice3A_422, %dot_general3A_423 {dimension_numbers = #tpu.dot_dimension_numbers<[1], [0], [0], [1], [0, 0, 1, 1], [], []>, transpose_lhs_hint = false} : vector<64x6xf32>, vector<6x128xf32>, vector<64x128xf32> -> vector<64x128xf32>
    %add3A_425 = arith.addf %dot_general3A_421, %dot_general3A_424 : vector<64x128xf32>
    %get3A_426 = arith.constant 0 : index
    %get3A_427 = vector.load %arg7[%get3A_426] : memref<128xf32, #tpu.memory_space<vmem>>, vector<128xf32>
    %broadcast_in_dim3A_428 = vector.shape_cast %get3A_427 : vector<128xf32> to vector<1x128xf32>
    %add3A_429 = vector.broadcast %broadcast_in_dim3A_428 : vector<1x128xf32> to vector<64x128xf32>
    %add3A_430 = arith.addf %add3A_425, %add3A_429 : vector<64x128xf32>
    %max3A_431 = arith.constant 0.000000e+00 : f32
    %max3A_432 = vector.broadcast %max3A_431 : f32 to vector<64x128xf32>
    %max3A_433 = arith.maximumf %add3A_430, %max3A_432 : vector<64x128xf32>
    %slice3A_434 = vector.extract_strided_slice %get3A_7 {offsets = [0, 0], sizes = [128, 128], strides = [1, 1]} : vector<134x128xf32> to vector<128x128xf32>
    %dot_general3A_435 = arith.constant dense<0.000000e+00> : vector<64x128xf32>
    %dot_general3A_436 = tpu.matmul %max3A_433, %slice3A_434, %dot_general3A_435 {dimension_numbers = #tpu.dot_dimension_numbers<[1], [0], [0], [1], [0, 0, 1, 1], [], []>, transpose_lhs_hint = false} : vector<64x128xf32>, vector<128x128xf32>, vector<64x128xf32> -> vector<64x128xf32>
    %slice3A_437 = vector.extract_strided_slice %get3A_7 {offsets = [128, 0], sizes = [6, 128], strides = [1, 1]} : vector<134x128xf32> to vector<6x128xf32>
    %dot_general3A_438 = arith.constant dense<0.000000e+00> : vector<64x128xf32>
    %dot_general3A_439 = tpu.matmul %reduce_sum3A_392, %slice3A_437, %dot_general3A_438 {dimension_numbers = #tpu.dot_dimension_numbers<[1], [0], [0], [1], [0, 0, 1, 1], [], []>, transpose_lhs_hint = false} : vector<64x6xf32>, vector<6x128xf32>, vector<64x128xf32> -> vector<64x128xf32>
    %add3A_440 = arith.addf %dot_general3A_436, %dot_general3A_439 : vector<64x128xf32>
    %get3A_441 = arith.constant 0 : index
    %get3A_442 = vector.load %arg9[%get3A_441] : memref<128xf32, #tpu.memory_space<vmem>>, vector<128xf32>
    %broadcast_in_dim3A_443 = vector.shape_cast %get3A_442 : vector<128xf32> to vector<1x128xf32>
    %add3A_444 = vector.broadcast %broadcast_in_dim3A_443 : vector<1x128xf32> to vector<64x128xf32>
    %add3A_445 = arith.addf %add3A_440, %add3A_444 : vector<64x128xf32>
    %tanh3A_446 = math.tanh %add3A_445 : vector<64x128xf32>
    %reduce_sum3A_447 = arith.constant dense<0.000000e+00> : vector<128xf32>
    %reduce_sum3A_448 = vector.multi_reduction <add>, %tanh3A_446, %reduce_sum3A_447 [0] : vector<64x128xf32> to vector<128xf32>
    %broadcast_in_dim3A_449 = vector.shape_cast %reduce_sum3A_448 : vector<128xf32> to vector<1x128xf32>
    %swap3A_450 = arith.constant 5 : index
    %swap3A_451 = arith.constant 0 : index
    %swap3A_452 = arith.constant 0 : index
    %swap3A_453 = vector.load %arg10[%swap3A_450, %swap3A_451, %swap3A_452] : memref<8x1x128xf32, #tpu.memory_space<vmem>>, vector<1x1x128xf32>
    %swap3A_454 = vector.shape_cast %swap3A_453 : vector<1x1x128xf32> to vector<1x128xf32>
    %swap3A_455 = vector.shape_cast %broadcast_in_dim3A_449 : vector<1x128xf32> to vector<1x1x128xf32>
    tpu.vector_store %arg10[%swap3A_450, %swap3A_451, %swap3A_452], %swap3A_455 {strides = array<i32>} : memref<8x1x128xf32, #tpu.memory_space<vmem>>, vector<1x1x128xf32>,
    %get3A_456 = arith.constant 6 : index
    %get3A_457 = arith.constant 0 : index
    %get3A_458 = arith.constant 0 : index
    %get3A_459 = vector.load %arg1[%get3A_456, %get3A_457, %get3A_458] : memref<8x64x37xf32, #tpu.memory_space<vmem>>, vector<1x64x37xf32>
    %get3A_460 = vector.shape_cast %get3A_459 : vector<1x64x37xf32> to vector<64x37xf32>
    %get3A_461 = arith.constant 6 : index
    %get3A_462 = arith.constant 0 : index
    %get3A_463 = arith.constant 0 : index
    %get3A_464 = arith.constant 0 : index
    %get3A_465 = vector.load %arg2[%get3A_461, %get3A_462, %get3A_463, %get3A_464] : memref<8x64x6x6xf32, #tpu.memory_space<vmem>>, vector<1x64x6x6xf32>
    %get3A_466 = vector.shape_cast %get3A_465 : vector<1x64x6x6xf32> to vector<64x6x6xf32>
    %reduce_sum3A_467 = arith.constant dense<0.000000e+00> : vector<64x6xf32>
    %reduce_sum3A_468 = vector.multi_reduction <add>, %get3A_466, %reduce_sum3A_467 [1] : vector<64x6x6xf32> to vector<64x6xf32>
    %get3A_469 = arith.constant 6 : index
    %get3A_470 = arith.constant 0 : index
    %get3A_471 = arith.constant 0 : index
    %get3A_472 = vector.load %arg3[%get3A_469, %get3A_470, %get3A_471] : memref<8x64x64xf32, #tpu.memory_space<vmem>>, vector<1x64x64xf32>
    %get3A_473 = vector.shape_cast %get3A_472 : vector<1x64x64xf32> to vector<64x64xf32>
    %dot_general3A_474 = arith.constant dense<0.000000e+00> : vector<64x37xf32>
    %dot_general3A_475 = tpu.matmul %get3A_473, %get3A_460, %dot_general3A_474 {dimension_numbers = #tpu.dot_dimension_numbers<[1], [0], [0], [1], [0, 0, 1, 1], [], []>, precision = #tpu.contract_precision<fp32>, transpose_lhs_hint = false} : vector<64x64xf32>, vector<64x37xf32>, vector<64x37xf32> -> vector<64x37xf32>
    %add3A_476 = arith.addf %get3A_460, %dot_general3A_475 : vector<64x37xf32>
    %slice3A_477 = vector.extract_strided_slice %get3A_1 {offsets = [0, 0], sizes = [37, 128], strides = [1, 1]} : vector<43x128xf32> to vector<37x128xf32>
    %dot_general3A_478 = arith.constant dense<0.000000e+00> : vector<64x128xf32>
    %dot_general3A_479 = tpu.matmul %add3A_476, %slice3A_477, %dot_general3A_478 {dimension_numbers = #tpu.dot_dimension_numbers<[1], [0], [0], [1], [0, 0, 1, 1], [], []>, transpose_lhs_hint = false} : vector<64x37xf32>, vector<37x128xf32>, vector<64x128xf32> -> vector<64x128xf32>
    %slice3A_480 = vector.extract_strided_slice %get3A_1 {offsets = [37, 0], sizes = [6, 128], strides = [1, 1]} : vector<43x128xf32> to vector<6x128xf32>
    %dot_general3A_481 = arith.constant dense<0.000000e+00> : vector<64x128xf32>
    %dot_general3A_482 = tpu.matmul %reduce_sum3A_468, %slice3A_480, %dot_general3A_481 {dimension_numbers = #tpu.dot_dimension_numbers<[1], [0], [0], [1], [0, 0, 1, 1], [], []>, transpose_lhs_hint = false} : vector<64x6xf32>, vector<6x128xf32>, vector<64x128xf32> -> vector<64x128xf32>
    %add3A_483 = arith.addf %dot_general3A_479, %dot_general3A_482 : vector<64x128xf32>
    %get3A_484 = arith.constant 0 : index
    %get3A_485 = vector.load %arg5[%get3A_484] : memref<128xf32, #tpu.memory_space<vmem>>, vector<128xf32>
    %broadcast_in_dim3A_486 = vector.shape_cast %get3A_485 : vector<128xf32> to vector<1x128xf32>
    %add3A_487 = vector.broadcast %broadcast_in_dim3A_486 : vector<1x128xf32> to vector<64x128xf32>
    %add3A_488 = arith.addf %add3A_483, %add3A_487 : vector<64x128xf32>
    %max3A_489 = arith.constant 0.000000e+00 : f32
    %max3A_490 = vector.broadcast %max3A_489 : f32 to vector<64x128xf32>
    %max3A_491 = arith.maximumf %add3A_488, %max3A_490 : vector<64x128xf32>
    %dot_general3A_492 = arith.constant dense<0.000000e+00> : vector<64x128xf32>
    %dot_general3A_493 = tpu.matmul %get3A_473, %max3A_491, %dot_general3A_492 {dimension_numbers = #tpu.dot_dimension_numbers<[1], [0], [0], [1], [0, 0, 1, 1], [], []>, precision = #tpu.contract_precision<fp32>, transpose_lhs_hint = false} : vector<64x64xf32>, vector<64x128xf32>, vector<64x128xf32> -> vector<64x128xf32>
    %add3A_494 = arith.addf %max3A_491, %dot_general3A_493 : vector<64x128xf32>
    %slice3A_495 = vector.extract_strided_slice %get3A_4 {offsets = [0, 0], sizes = [128, 128], strides = [1, 1]} : vector<134x128xf32> to vector<128x128xf32>
    %dot_general3A_496 = arith.constant dense<0.000000e+00> : vector<64x128xf32>
    %dot_general3A_497 = tpu.matmul %add3A_494, %slice3A_495, %dot_general3A_496 {dimension_numbers = #tpu.dot_dimension_numbers<[1], [0], [0], [1], [0, 0, 1, 1], [], []>, transpose_lhs_hint = false} : vector<64x128xf32>, vector<128x128xf32>, vector<64x128xf32> -> vector<64x128xf32>
    %slice3A_498 = vector.extract_strided_slice %get3A_4 {offsets = [128, 0], sizes = [6, 128], strides = [1, 1]} : vector<134x128xf32> to vector<6x128xf32>
    %dot_general3A_499 = arith.constant dense<0.000000e+00> : vector<64x128xf32>
    %dot_general3A_500 = tpu.matmul %reduce_sum3A_468, %slice3A_498, %dot_general3A_499 {dimension_numbers = #tpu.dot_dimension_numbers<[1], [0], [0], [1], [0, 0, 1, 1], [], []>, transpose_lhs_hint = false} : vector<64x6xf32>, vector<6x128xf32>, vector<64x128xf32> -> vector<64x128xf32>
    %add3A_501 = arith.addf %dot_general3A_497, %dot_general3A_500 : vector<64x128xf32>
    %get3A_502 = arith.constant 0 : index
    %get3A_503 = vector.load %arg7[%get3A_502] : memref<128xf32, #tpu.memory_space<vmem>>, vector<128xf32>
    %broadcast_in_dim3A_504 = vector.shape_cast %get3A_503 : vector<128xf32> to vector<1x128xf32>
    %add3A_505 = vector.broadcast %broadcast_in_dim3A_504 : vector<1x128xf32> to vector<64x128xf32>
    %add3A_506 = arith.addf %add3A_501, %add3A_505 : vector<64x128xf32>
    %max3A_507 = arith.constant 0.000000e+00 : f32
    %max3A_508 = vector.broadcast %max3A_507 : f32 to vector<64x128xf32>
    %max3A_509 = arith.maximumf %add3A_506, %max3A_508 : vector<64x128xf32>
    %slice3A_510 = vector.extract_strided_slice %get3A_7 {offsets = [0, 0], sizes = [128, 128], strides = [1, 1]} : vector<134x128xf32> to vector<128x128xf32>
    %dot_general3A_511 = arith.constant dense<0.000000e+00> : vector<64x128xf32>
    %dot_general3A_512 = tpu.matmul %max3A_509, %slice3A_510, %dot_general3A_511 {dimension_numbers = #tpu.dot_dimension_numbers<[1], [0], [0], [1], [0, 0, 1, 1], [], []>, transpose_lhs_hint = false} : vector<64x128xf32>, vector<128x128xf32>, vector<64x128xf32> -> vector<64x128xf32>
    %slice3A_513 = vector.extract_strided_slice %get3A_7 {offsets = [128, 0], sizes = [6, 128], strides = [1, 1]} : vector<134x128xf32> to vector<6x128xf32>
    %dot_general3A_514 = arith.constant dense<0.000000e+00> : vector<64x128xf32>
    %dot_general3A_515 = tpu.matmul %reduce_sum3A_468, %slice3A_513, %dot_general3A_514 {dimension_numbers = #tpu.dot_dimension_numbers<[1], [0], [0], [1], [0, 0, 1, 1], [], []>, transpose_lhs_hint = false} : vector<64x6xf32>, vector<6x128xf32>, vector<64x128xf32> -> vector<64x128xf32>
    %add3A_516 = arith.addf %dot_general3A_512, %dot_general3A_515 : vector<64x128xf32>
    %get3A_517 = arith.constant 0 : index
    %get3A_518 = vector.load %arg9[%get3A_517] : memref<128xf32, #tpu.memory_space<vmem>>, vector<128xf32>
    %broadcast_in_dim3A_519 = vector.shape_cast %get3A_518 : vector<128xf32> to vector<1x128xf32>
    %add3A_520 = vector.broadcast %broadcast_in_dim3A_519 : vector<1x128xf32> to vector<64x128xf32>
    %add3A_521 = arith.addf %add3A_516, %add3A_520 : vector<64x128xf32>
    %tanh3A_522 = math.tanh %add3A_521 : vector<64x128xf32>
    %reduce_sum3A_523 = arith.constant dense<0.000000e+00> : vector<128xf32>
    %reduce_sum3A_524 = vector.multi_reduction <add>, %tanh3A_522, %reduce_sum3A_523 [0] : vector<64x128xf32> to vector<128xf32>
    %broadcast_in_dim3A_525 = vector.shape_cast %reduce_sum3A_524 : vector<128xf32> to vector<1x128xf32>
    %swap3A_526 = arith.constant 6 : index
    %swap3A_527 = arith.constant 0 : index
    %swap3A_528 = arith.constant 0 : index
    %swap3A_529 = vector.load %arg10[%swap3A_526, %swap3A_527, %swap3A_528] : memref<8x1x128xf32, #tpu.memory_space<vmem>>, vector<1x1x128xf32>
    %swap3A_530 = vector.shape_cast %swap3A_529 : vector<1x1x128xf32> to vector<1x128xf32>
    %swap3A_531 = vector.shape_cast %broadcast_in_dim3A_525 : vector<1x128xf32> to vector<1x1x128xf32>
    tpu.vector_store %arg10[%swap3A_526, %swap3A_527, %swap3A_528], %swap3A_531 {strides = array<i32>} : memref<8x1x128xf32, #tpu.memory_space<vmem>>, vector<1x1x128xf32>,
    %get3A_532 = arith.constant 7 : index
    %get3A_533 = arith.constant 0 : index
    %get3A_534 = arith.constant 0 : index
    %get3A_535 = vector.load %arg1[%get3A_532, %get3A_533, %get3A_534] : memref<8x64x37xf32, #tpu.memory_space<vmem>>, vector<1x64x37xf32>
    %get3A_536 = vector.shape_cast %get3A_535 : vector<1x64x37xf32> to vector<64x37xf32>
    %get3A_537 = arith.constant 7 : index
    %get3A_538 = arith.constant 0 : index
    %get3A_539 = arith.constant 0 : index
    %get3A_540 = arith.constant 0 : index
    %get3A_541 = vector.load %arg2[%get3A_537, %get3A_538, %get3A_539, %get3A_540] : memref<8x64x6x6xf32, #tpu.memory_space<vmem>>, vector<1x64x6x6xf32>
    %get3A_542 = vector.shape_cast %get3A_541 : vector<1x64x6x6xf32> to vector<64x6x6xf32>
    %reduce_sum3A_543 = arith.constant dense<0.000000e+00> : vector<64x6xf32>
    %reduce_sum3A_544 = vector.multi_reduction <add>, %get3A_542, %reduce_sum3A_543 [1] : vector<64x6x6xf32> to vector<64x6xf32>
    %get3A_545 = arith.constant 7 : index
    %get3A_546 = arith.constant 0 : index
    %get3A_547 = arith.constant 0 : index
    %get3A_548 = vector.load %arg3[%get3A_545, %get3A_546, %get3A_547] : memref<8x64x64xf32, #tpu.memory_space<vmem>>, vector<1x64x64xf32>
    %get3A_549 = vector.shape_cast %get3A_548 : vector<1x64x64xf32> to vector<64x64xf32>
    %dot_general3A_550 = arith.constant dense<0.000000e+00> : vector<64x37xf32>
    %dot_general3A_551 = tpu.matmul %get3A_549, %get3A_536, %dot_general3A_550 {dimension_numbers = #tpu.dot_dimension_numbers<[1], [0], [0], [1], [0, 0, 1, 1], [], []>, precision = #tpu.contract_precision<fp32>, transpose_lhs_hint = false} : vector<64x64xf32>, vector<64x37xf32>, vector<64x37xf32> -> vector<64x37xf32>
    %add3A_552 = arith.addf %get3A_536, %dot_general3A_551 : vector<64x37xf32>
    %slice3A_553 = vector.extract_strided_slice %get3A_1 {offsets = [0, 0], sizes = [37, 128], strides = [1, 1]} : vector<43x128xf32> to vector<37x128xf32>
    %dot_general3A_554 = arith.constant dense<0.000000e+00> : vector<64x128xf32>
    %dot_general3A_555 = tpu.matmul %add3A_552, %slice3A_553, %dot_general3A_554 {dimension_numbers = #tpu.dot_dimension_numbers<[1], [0], [0], [1], [0, 0, 1, 1], [], []>, transpose_lhs_hint = false} : vector<64x37xf32>, vector<37x128xf32>, vector<64x128xf32> -> vector<64x128xf32>
    %slice3A_556 = vector.extract_strided_slice %get3A_1 {offsets = [37, 0], sizes = [6, 128], strides = [1, 1]} : vector<43x128xf32> to vector<6x128xf32>
    %dot_general3A_557 = arith.constant dense<0.000000e+00> : vector<64x128xf32>
    %dot_general3A_558 = tpu.matmul %reduce_sum3A_544, %slice3A_556, %dot_general3A_557 {dimension_numbers = #tpu.dot_dimension_numbers<[1], [0], [0], [1], [0, 0, 1, 1], [], []>, transpose_lhs_hint = false} : vector<64x6xf32>, vector<6x128xf32>, vector<64x128xf32> -> vector<64x128xf32>
    %add3A_559 = arith.addf %dot_general3A_555, %dot_general3A_558 : vector<64x128xf32>
    %get3A_560 = arith.constant 0 : index
    %get3A_561 = vector.load %arg5[%get3A_560] : memref<128xf32, #tpu.memory_space<vmem>>, vector<128xf32>
    %broadcast_in_dim3A_562 = vector.shape_cast %get3A_561 : vector<128xf32> to vector<1x128xf32>
    %add3A_563 = vector.broadcast %broadcast_in_dim3A_562 : vector<1x128xf32> to vector<64x128xf32>
    %add3A_564 = arith.addf %add3A_559, %add3A_563 : vector<64x128xf32>
    %max3A_565 = arith.constant 0.000000e+00 : f32
    %max3A_566 = vector.broadcast %max3A_565 : f32 to vector<64x128xf32>
    %max3A_567 = arith.maximumf %add3A_564, %max3A_566 : vector<64x128xf32>
    %dot_general3A_568 = arith.constant dense<0.000000e+00> : vector<64x128xf32>
    %dot_general3A_569 = tpu.matmul %get3A_549, %max3A_567, %dot_general3A_568 {dimension_numbers = #tpu.dot_dimension_numbers<[1], [0], [0], [1], [0, 0, 1, 1], [], []>, precision = #tpu.contract_precision<fp32>, transpose_lhs_hint = false} : vector<64x64xf32>, vector<64x128xf32>, vector<64x128xf32> -> vector<64x128xf32>
    %add3A_570 = arith.addf %max3A_567, %dot_general3A_569 : vector<64x128xf32>
    %slice3A_571 = vector.extract_strided_slice %get3A_4 {offsets = [0, 0], sizes = [128, 128], strides = [1, 1]} : vector<134x128xf32> to vector<128x128xf32>
    %dot_general3A_572 = arith.constant dense<0.000000e+00> : vector<64x128xf32>
    %dot_general3A_573 = tpu.matmul %add3A_570, %slice3A_571, %dot_general3A_572 {dimension_numbers = #tpu.dot_dimension_numbers<[1], [0], [0], [1], [0, 0, 1, 1], [], []>, transpose_lhs_hint = false} : vector<64x128xf32>, vector<128x128xf32>, vector<64x128xf32> -> vector<64x128xf32>
    %slice3A_574 = vector.extract_strided_slice %get3A_4 {offsets = [128, 0], sizes = [6, 128], strides = [1, 1]} : vector<134x128xf32> to vector<6x128xf32>
    %dot_general3A_575 = arith.constant dense<0.000000e+00> : vector<64x128xf32>
    %dot_general3A_576 = tpu.matmul %reduce_sum3A_544, %slice3A_574, %dot_general3A_575 {dimension_numbers = #tpu.dot_dimension_numbers<[1], [0], [0], [1], [0, 0, 1, 1], [], []>, transpose_lhs_hint = false} : vector<64x6xf32>, vector<6x128xf32>, vector<64x128xf32> -> vector<64x128xf32>
    %add3A_577 = arith.addf %dot_general3A_573, %dot_general3A_576 : vector<64x128xf32>
    %get3A_578 = arith.constant 0 : index
    %get3A_579 = vector.load %arg7[%get3A_578] : memref<128xf32, #tpu.memory_space<vmem>>, vector<128xf32>
    %broadcast_in_dim3A_580 = vector.shape_cast %get3A_579 : vector<128xf32> to vector<1x128xf32>
    %add3A_581 = vector.broadcast %broadcast_in_dim3A_580 : vector<1x128xf32> to vector<64x128xf32>
    %add3A_582 = arith.addf %add3A_577, %add3A_581 : vector<64x128xf32>
    %max3A_583 = arith.constant 0.000000e+00 : f32
    %max3A_584 = vector.broadcast %max3A_583 : f32 to vector<64x128xf32>
    %max3A_585 = arith.maximumf %add3A_582, %max3A_584 : vector<64x128xf32>
    %slice3A_586 = vector.extract_strided_slice %get3A_7 {offsets = [0, 0], sizes = [128, 128], strides = [1, 1]} : vector<134x128xf32> to vector<128x128xf32>
    %dot_general3A_587 = arith.constant dense<0.000000e+00> : vector<64x128xf32>
    %dot_general3A_588 = tpu.matmul %max3A_585, %slice3A_586, %dot_general3A_587 {dimension_numbers = #tpu.dot_dimension_numbers<[1], [0], [0], [1], [0, 0, 1, 1], [], []>, transpose_lhs_hint = false} : vector<64x128xf32>, vector<128x128xf32>, vector<64x128xf32> -> vector<64x128xf32>
    %slice3A_589 = vector.extract_strided_slice %get3A_7 {offsets = [128, 0], sizes = [6, 128], strides = [1, 1]} : vector<134x128xf32> to vector<6x128xf32>
    %dot_general3A_590 = arith.constant dense<0.000000e+00> : vector<64x128xf32>
    %dot_general3A_591 = tpu.matmul %reduce_sum3A_544, %slice3A_589, %dot_general3A_590 {dimension_numbers = #tpu.dot_dimension_numbers<[1], [0], [0], [1], [0, 0, 1, 1], [], []>, transpose_lhs_hint = false} : vector<64x6xf32>, vector<6x128xf32>, vector<64x128xf32> -> vector<64x128xf32>
    %add3A_592 = arith.addf %dot_general3A_588, %dot_general3A_591 : vector<64x128xf32>
    %get3A_593 = arith.constant 0 : index
    %get3A_594 = vector.load %arg9[%get3A_593] : memref<128xf32, #tpu.memory_space<vmem>>, vector<128xf32>
    %broadcast_in_dim3A_595 = vector.shape_cast %get3A_594 : vector<128xf32> to vector<1x128xf32>
    %add3A_596 = vector.broadcast %broadcast_in_dim3A_595 : vector<1x128xf32> to vector<64x128xf32>
    %add3A_597 = arith.addf %add3A_592, %add3A_596 : vector<64x128xf32>
    %tanh3A_598 = math.tanh %add3A_597 : vector<64x128xf32>
    %reduce_sum3A_599 = arith.constant dense<0.000000e+00> : vector<128xf32>
    %reduce_sum3A_600 = vector.multi_reduction <add>, %tanh3A_598, %reduce_sum3A_599 [0] : vector<64x128xf32> to vector<128xf32>
    %broadcast_in_dim3A_601 = vector.shape_cast %reduce_sum3A_600 : vector<128xf32> to vector<1x128xf32>
    %swap3A_602 = arith.constant 7 : index
    %swap3A_603 = arith.constant 0 : index
    %swap3A_604 = arith.constant 0 : index
    %swap3A_605 = vector.load %arg10[%swap3A_602, %swap3A_603, %swap3A_604] : memref<8x1x128xf32, #tpu.memory_space<vmem>>, vector<1x1x128xf32>
    %swap3A_606 = vector.shape_cast %swap3A_605 : vector<1x1x128xf32> to vector<1x128xf32>
    %swap3A_607 = vector.shape_cast %broadcast_in_dim3A_601 : vector<1x128xf32> to vector<1x1x128xf32>
    tpu.vector_store %arg10[%swap3A_602, %swap3A_603, %swap3A_604], %swap3A_607 {strides = array<i32>} : memref<8x1x128xf32, #tpu.memory_space<vmem>>, vector<1x1x128xf32>,
    return
  }
  func.func @transform_0(%arg0: i32) -> (i32, i32, i32) {
    %c0_i32 = arith.constant 0 : i32
    %c0_i32_0 = arith.constant 0 : i32
    %c0_i32_1 = arith.constant 0 : i32
    return %arg0, %c0_i32, %c0_i32_0 : i32, i32, i32
  }
  func.func @transform_1(%arg0: i32) -> (i32, i32, i32, i32) {
    %c0_i32 = arith.constant 0 : i32
    %c0_i32_0 = arith.constant 0 : i32
    %c0_i32_1 = arith.constant 0 : i32
    %c0_i32_2 = arith.constant 0 : i32
    return %arg0, %c0_i32, %c0_i32_0, %c0_i32_1 : i32, i32, i32, i32
  }
  func.func @transform_2(%arg0: i32) -> (i32, i32, i32) {
    %c0_i32 = arith.constant 0 : i32
    %c0_i32_0 = arith.constant 0 : i32
    %c0_i32_1 = arith.constant 0 : i32
    return %arg0, %c0_i32, %c0_i32_0 : i32, i32, i32
  }
  func.func @transform_3(%arg0: i32) -> (i32, i32) {
    %c0_i32 = arith.constant 0 : i32
    %c0_i32_0 = arith.constant 0 : i32
    %c0_i32_1 = arith.constant 0 : i32
    return %c0_i32, %c0_i32_0 : i32, i32
  }
  func.func @transform_4(%arg0: i32) -> i32 {
    %c0_i32 = arith.constant 0 : i32
    %c0_i32_0 = arith.constant 0 : i32
    return %c0_i32 : i32
  }
  func.func @transform_5(%arg0: i32) -> (i32, i32) {
    %c0_i32 = arith.constant 0 : i32
    %c0_i32_0 = arith.constant 0 : i32
    %c0_i32_1 = arith.constant 0 : i32
    return %c0_i32, %c0_i32_0 : i32, i32
  }
  func.func @transform_6(%arg0: i32) -> i32 {
    %c0_i32 = arith.constant 0 : i32
    %c0_i32_0 = arith.constant 0 : i32
    return %c0_i32 : i32
  }
  func.func @transform_7(%arg0: i32) -> (i32, i32) {
    %c0_i32 = arith.constant 0 : i32
    %c0_i32_0 = arith.constant 0 : i32
    %c0_i32_1 = arith.constant 0 : i32
    return %c0_i32, %c0_i32_0 : i32, i32
  }
  func.func @transform_8(%arg0: i32) -> i32 {
    %c0_i32 = arith.constant 0 : i32
    %c0_i32_0 = arith.constant 0 : i32
    return %c0_i32 : i32
  }
  func.func @transform_9(%arg0: i32) -> (i32, i32, i32) {
    %c0_i32 = arith.constant 0 : i32
    %c0_i32_0 = arith.constant 0 : i32
    %c0_i32_1 = arith.constant 0 : i32
    return %arg0, %c0_i32, %c0_i32_0 : i32, i32, i32
  }
}

module attributes {stable_mosaic.version = 14 : i64} {
  func.func @_head_body(%arg0: memref<64x128xf32, #tpu.memory_space<vmem>>, %arg1: memref<64x128xf32, #tpu.memory_space<vmem>>, %arg2: memref<256x100xf32, #tpu.memory_space<vmem>>, %arg3: memref<100xf32, #tpu.memory_space<vmem>>, %arg4: memref<100x100xf32, #tpu.memory_space<vmem>>, %arg5: memref<100xf32, #tpu.memory_space<vmem>>, %arg6: memref<100x1xf32, #tpu.memory_space<vmem>>, %arg7: memref<1xf32, #tpu.memory_space<vmem>>, %arg8: memref<64x1xf32, #tpu.memory_space<vmem>>) attributes {dimension_semantics = [], scalar_prefetch = 0 : i64, scratch_operands = 0 : i64, tpu.core_type = #tpu.core_type<tc>} {
    %get3A = arith.constant 0 : index
    %get3A_0 = arith.constant 0 : index
    %get3A_1 = vector.load %arg2[%get3A, %get3A_0] : memref<256x100xf32, #tpu.memory_space<vmem>>, vector<256x100xf32>
    %get3A_2 = arith.constant 0 : index
    %get3A_3 = arith.constant 0 : index
    %get3A_4 = vector.load %arg0[%get3A_2, %get3A_3] : memref<64x128xf32, #tpu.memory_space<vmem>>, vector<64x128xf32>
    %slice3A = vector.extract_strided_slice %get3A_1 {offsets = [0, 0], sizes = [128, 100], strides = [1, 1]} : vector<256x100xf32> to vector<128x100xf32>
    %dot_general3A = arith.constant dense<0.000000e+00> : vector<64x100xf32>
    %dot_general3A_5 = tpu.matmul %get3A_4, %slice3A, %dot_general3A {dimension_numbers = #tpu.dot_dimension_numbers<[1], [0], [0], [1], [0, 0, 1, 1], [], []>, transpose_lhs_hint = false} : vector<64x128xf32>, vector<128x100xf32>, vector<64x100xf32> -> vector<64x100xf32>
    %get3A_6 = arith.constant 0 : index
    %get3A_7 = arith.constant 0 : index
    %get3A_8 = vector.load %arg1[%get3A_6, %get3A_7] : memref<64x128xf32, #tpu.memory_space<vmem>>, vector<64x128xf32>
    %slice3A_9 = vector.extract_strided_slice %get3A_1 {offsets = [128, 0], sizes = [128, 100], strides = [1, 1]} : vector<256x100xf32> to vector<128x100xf32>
    %dot_general3A_10 = arith.constant dense<0.000000e+00> : vector<64x100xf32>
    %dot_general3A_11 = tpu.matmul %get3A_8, %slice3A_9, %dot_general3A_10 {dimension_numbers = #tpu.dot_dimension_numbers<[1], [0], [0], [1], [0, 0, 1, 1], [], []>, transpose_lhs_hint = false} : vector<64x128xf32>, vector<128x100xf32>, vector<64x100xf32> -> vector<64x100xf32>
    %add3A = arith.addf %dot_general3A_5, %dot_general3A_11 : vector<64x100xf32>
    %get3A_12 = arith.constant 0 : index
    %get3A_13 = vector.load %arg3[%get3A_12] : memref<100xf32, #tpu.memory_space<vmem>>, vector<100xf32>
    %broadcast_in_dim3A = vector.shape_cast %get3A_13 : vector<100xf32> to vector<1x100xf32>
    %add3A_14 = vector.broadcast %broadcast_in_dim3A : vector<1x100xf32> to vector<64x100xf32>
    %add3A_15 = arith.addf %add3A, %add3A_14 : vector<64x100xf32>
    %get3A_16 = arith.constant 0 : index
    %get3A_17 = arith.constant 0 : index
    %get3A_18 = vector.load %arg4[%get3A_16, %get3A_17] : memref<100x100xf32, #tpu.memory_space<vmem>>, vector<100x100xf32>
    %dot_general3A_19 = arith.constant dense<0.000000e+00> : vector<64x100xf32>
    %dot_general3A_20 = tpu.matmul %add3A_15, %get3A_18, %dot_general3A_19 {dimension_numbers = #tpu.dot_dimension_numbers<[1], [0], [0], [1], [0, 0, 1, 1], [], []>, transpose_lhs_hint = false} : vector<64x100xf32>, vector<100x100xf32>, vector<64x100xf32> -> vector<64x100xf32>
    %get3A_21 = arith.constant 0 : index
    %get3A_22 = vector.load %arg5[%get3A_21] : memref<100xf32, #tpu.memory_space<vmem>>, vector<100xf32>
    %broadcast_in_dim3A_23 = vector.shape_cast %get3A_22 : vector<100xf32> to vector<1x100xf32>
    %add3A_24 = vector.broadcast %broadcast_in_dim3A_23 : vector<1x100xf32> to vector<64x100xf32>
    %add3A_25 = arith.addf %dot_general3A_20, %add3A_24 : vector<64x100xf32>
    %get3A_26 = arith.constant 0 : index
    %get3A_27 = arith.constant 0 : index
    %get3A_28 = vector.load %arg6[%get3A_26, %get3A_27] : memref<100x1xf32, #tpu.memory_space<vmem>>, vector<100x1xf32>
    %dot_general3A_29 = arith.constant dense<0.000000e+00> : vector<64x1xf32>
    %dot_general3A_30 = tpu.matmul %add3A_25, %get3A_28, %dot_general3A_29 {dimension_numbers = #tpu.dot_dimension_numbers<[1], [0], [0], [1], [0, 0, 1, 1], [], []>, transpose_lhs_hint = false} : vector<64x100xf32>, vector<100x1xf32>, vector<64x1xf32> -> vector<64x1xf32>
    %get3A_31 = arith.constant 0 : index
    %get3A_32 = vector.load %arg7[%get3A_31] : memref<1xf32, #tpu.memory_space<vmem>>, vector<1xf32>
    %broadcast_in_dim3A_33 = vector.shape_cast %get3A_32 : vector<1xf32> to vector<1x1xf32>
    %add3A_34 = vector.broadcast %broadcast_in_dim3A_33 : vector<1x1xf32> to vector<64x1xf32>
    %add3A_35 = arith.addf %dot_general3A_30, %add3A_34 : vector<64x1xf32>
    %logistic3A = arith.negf %add3A_35 : vector<64x1xf32>
    %logistic3A_36 = math.exp %logistic3A : vector<64x1xf32>
    %logistic3A_37 = arith.constant 1.000000e+00 : f32
    %logistic3A_38 = vector.broadcast %logistic3A_37 : f32 to vector<64x1xf32>
    %logistic3A_39 = arith.addf %logistic3A_38, %logistic3A_36 : vector<64x1xf32>
    %logistic3A_40 = arith.divf %logistic3A_38, %logistic3A_39 : vector<64x1xf32>
    %swap3A = arith.constant 0 : index
    %swap3A_41 = arith.constant 0 : index
    %swap3A_42 = vector.load %arg8[%swap3A, %swap3A_41] : memref<64x1xf32, #tpu.memory_space<vmem>>, vector<64x1xf32>
    tpu.vector_store %arg8[%swap3A, %swap3A_41], %logistic3A_40 {strides = array<i32>} : memref<64x1xf32, #tpu.memory_space<vmem>>, vector<64x1xf32>,
    return
  }
}

</mosaic_0001>

<sc_bundles>
// kernel: kernel.6.cloned.1.call-start
scs
__scs_entry_jumppad:
0x0: {  	(pc) =	sbr.rel $0x88, $3  }
0x1: {  	(tag) =	ssettag $0x0;
	lr =	simm.s32 $0x1  }
0x2: {  	[smem:$0x3F8A] =	sst lr;
	_ =	strace $0xD0000000  }
0x3: {  	_ = 	snop  }
0x4: {  	_ = 	snop  }
0x5: {  	_ = 	snop  }
0x6: {  	_ = 	snop  }
0x7: {  	_ = 	snop  }
__scs_overlays_trampoline_lowered:
0x8: {  	[smem:$0x3F99] =	sst s0  }
0x9: {  	[smem:$0x3F9A] =	sst s1  }
0xa: {  	[smem:$0x3F9B] =	sst s2  }
0xb: {  	[smem:$0x3F9C] =	sst s3  }
0xc: {  	[smem:$0x3F9D] =	sst s4  }
0xd: {  	[smem:$0x3F9E] =	sst s5  }
0xe: {  	[smem:$0x3F9F] =	sst s6  }
0xf: {  	[smem:$0x3FA0] =	sst s7  }
0x10: {  	[smem:$0x3FA1] =	sst s8  }
0x11: {  	[smem:$0x3FA2] =	sst s9;
	s0 =	simm.s32 @!p0 $0x0  }
0x12: {  	s1 =	sld [smem:$0x3F88];
	s0 =	simm.s32 @p0 $0x1  }
0x13: {  	[smem:$0x3FA3] =	sst s0;
	s0 =	simm.s32 @!p1 $0x0  }
0x14: {  	s2 =	sld [smem:$0x3F87];
	s0 =	simm.s32 @p1 $0x1  }
0x15: {  	[smem:$0x3FA4] =	sst s0;
	s0 =	simm.s32 @!p2 $0x0  }
0x16: {  	s3 =	sld [smem:$0x3FDB];
	s0 =	simm.s32 @p2 $0x1  }
0x17: {  	s4 =	simm.s32 $0x1BF5;
	[smem:$0x3FA6] =	sst s0  }
0x18: {  	s0 =	sld [smem:$0x3F89];
	_ =	swait.ge [sflag:s4], $0x0  }
0x19: {  	s7 =	sld [smem:$0x3F8A]  }
0x1a: {  	s8 =	sadd.s32 $0xFFFFE003, lr  }
0x1b: {  	s9 =	sadd.s32 $0xFFFFFEF7, lr;
	s5 =	simm.s32 $0xFFFFFFFF;
	p2 =	slt.u32 s8, $0xFFFFF086  }
0x1c: {  	p1 =	slt.u32 s9, $0xF7A;
	s5 =	simm.s32 @!p2 $0x0  }
0x1d: {  	s5 =	simm.s32 @p1 $0x1;
	p0 =	seq.s32 s7, s2  }
0x1e: {  	s7 =	smul.u32 @!p0 $0xF7A, s2;
	p2 =	seq.s32 @!p0 s5, $0x0  }
0x1f: {  	s9 =	smul.u32 $0xF7A, s1;
	s8 =	simm.s32 @!p0 $0x1BF5;
	p2 =	por !p2, p0  }
0x20: {  	[sflag:s8] =	ssyncset.s32 @!p0 $0xFFFFF086;
	s6 =	sadd.s32 @!p0 s3, s7;
	s7 =	simm.s32 @!p0 $0x108  }
0x21: {  	s3 =	sadd.s32 s3, s9;
	s6 =	sadd.s32 @!p0 $0x88, s6;
	s7 =	simm.s32 @p2 $0x1082  }
0x22: {  	[simem:s7], [sflag:s8] =	dma.local @!p0 [hbm:s6], $0xF7A  }
0x23: {  	s9 =	sor.u32 $0xD0000000, s2;
	s6 =	simm.s32 $0x108;
	_ =	swait.ge @!p0 [sflag:s8], $0x0  }
0x24: {  	s3 =	sadd.s32 $0x88, s3;
	s6 =	simm.s32 @!p1 $0x1082;
	[sflag:s4] =	ssyncset.s32 $0xFFFFF086  }
0x25: {  	[simem:s6], [sflag:s4] =	dma.local [hbm:s3], $0xF7A  }
0x26: {  	[smem:$0x3F8A] =	sst s1;
	(tag) =	ssettag s2;
	_ =	strace s9  }
0x27: {  	s1 =	sld [smem:$0x3F9A]  }
0x28: {  	s2 =	sld [smem:$0x3F9B]  }
0x29: {  	s4 =	sld [smem:$0x3F9D]  }
0x2a: {  	p0 =	seq.s32 s5, $0x0;
	s5 =	sld [smem:$0x3F9E]  }
0x2b: {  	s6 =	sld [smem:$0x3F9F]  }
0x2c: {  	s7 =	sld [smem:$0x3FA0]  }
0x2d: {  	s3 =	simm.s32 $0x108;
	s8 =	sld [smem:$0x3FA1]  }
0x2e: {  	s3 =	simm.s32 @!p0 $0x1082;
	s9 =	sld [smem:$0x3FA2]  }
0x2f: {  	lr =	sadd.s32 s0, s3;
	s0 =	sld [smem:$0x3F99]  }
0x30: {  	s3 =	sld [smem:$0x3F9C]  }
0x31: {  	[smem:$0x3FA5] =	sst s10  }
0x32: {  	s10 =	sld [smem:$0x3FA3];
	_ =	sdelay $0x3  }
0x33: {  	p0 =	seq.s32 s10, $0x1;
	s10 =	sld [smem:$0x3FA5];
	_ =	sdelay $0x3  }
0x34: {  	[smem:$0x3FA5] =	sst s10  }
0x35: {  	s10 =	sld [smem:$0x3FA4];
	_ =	sdelay $0x3  }
0x36: {  	p1 =	seq.s32 s10, $0x1;
	s10 =	sld [smem:$0x3FA5];
	_ =	sdelay $0x3  }
0x37: {  	[smem:$0x3FA5] =	sst s10  }
0x38: {  	s10 =	sld [smem:$0x3FA6]  }
0x39: {  	_ = 	snop;
	(pc) =	sbr.ind lr, $3  }
0x3a: {  	_ = 	snop  }
0x3b: {  	_ = 	snop  }
0x3c: {  	p2 =	seq.s32 s10, $0x1;
	s10 =	sld [smem:$0x3FA5]  }
0x3d: {  	_ =	shalt  }
0x3e: {  	_ =	shalt  }
0x3f: {  	_ =	shalt  }
0x40: {  	_ =	shalt  }
0x41: {  	_ =	shalt  }
0x42: {  	_ =	shalt  }
0x43: {  	_ =	shalt  }
0x44: {  	_ =	shalt  }
0x45: {  	_ =	shalt  }
0x46: {  	_ =	shalt  }
0x47: {  	_ =	shalt  }
0x48: {  	_ =	shalt  }
0x49: {  	_ =	shalt  }
0x4a: {  	_ =	shalt  }
0x4b: {  	_ =	shalt  }
0x4c: {  	_ =	shalt  }
0x4d: {  	_ =	shalt  }
0x4e: {  	_ =	shalt  }
0x4f: {  	_ =	shalt  }
0x50: {  	_ =	shalt  }
0x51: {  	_ =	shalt  }
0x52: {  	_ =	shalt  }
0x53: {  	_ =	shalt  }
0x54: {  	_ =	shalt  }
0x55: {  	_ =	shalt  }
0x56: {  	_ =	shalt  }
0x57: {  	_ =	shalt  }
0x58: {  	_ =	shalt  }
0x59: {  	_ =	shalt  }
0x5a: {  	_ =	shalt  }
0x5b: {  	_ =	shalt  }
0x5c: {  	_ =	shalt  }
0x5d: {  	_ =	shalt  }
0x5e: {  	_ =	shalt  }
0x5f: {  	_ =	shalt  }
0x60: {  	_ =	shalt  }
0x61: {  	_ =	shalt  }
0x62: {  	_ =	shalt  }
0x63: {  	_ =	shalt  }
0x64: {  	_ =	shalt  }
0x65: {  	_ =	shalt  }
0x66: {  	_ =	shalt  }
0x67: {  	_ =	shalt  }
0x68: {  	_ =	shalt  }
0x69: {  	_ =	shalt  }
0x6a: {  	_ =	shalt  }
0x6b: {  	_ =	shalt  }
0x6c: {  	_ =	shalt  }
0x6d: {  	_ =	shalt  }
0x6e: {  	_ =	shalt  }
0x6f: {  	_ =	shalt  }
0x70: {  	_ =	shalt  }
0x71: {  	_ =	shalt  }
0x72: {  	_ =	shalt  }
0x73: {  	_ =	shalt  }
0x74: {  	_ =	shalt  }
0x75: {  	_ =	shalt  }
0x76: {  	_ =	shalt  }
0x77: {  	_ =	shalt  }
0x78: {  	_ =	shalt  }
0x79: {  	_ =	shalt  }
0x7a: {  	_ =	shalt  }
0x7b: {  	_ =	shalt  }
0x7c: {  	_ =	shalt  }
0x7d: {  	_ =	shalt  }
0x7e: {  	_ =	shalt  }
0x7f: {  	_ =	shalt  }
0x80: {  	_ =	shalt  }
0x81: {  	_ =	shalt  }
0x82: {  	_ =	shalt  }
0x83: {  	_ =	shalt  }
0x84: {  	_ =	shalt  }
0x85: {  	_ =	shalt  }
0x86: {  	_ =	shalt  }
0x87: {  	_ =	shalt  }
.Lfunc_end0:
.L_simem_size_0:
called_computation_lowered:
.L_overlay_start_0:
0x88: {  	s2 =	sld [smem:$0x3FD9]  }
0x89: {  	s3 =	sld [smem:$0x3FFE];
	_ =	sdelay $0x1  }
0x8a: {  	s1 =	srdreg.scid  }
0x8b: {  	s0 =	sand.u32 $0x1, s1  }
0x8c: {  	s16 =	sshll.u32 s0, $0xA;
	s2 =	sadd.s32 s3, s2  }
0x8d: {  	s2 =	sadd.s32 s2, s16  }
0x8e: {  	[smem:$0x3FB1] =	sst s2  }
0x8f: {  	_ = 	snop  }
0x90: {  	(tm) =	ssettm $0x1  }
0x91: {  	s17 =	sld [smem:$0x3FFB];
	_ =	sdelay $0x3  }
0x92: {  	_ =	strace s17  }
0x93: {  	s2 =	sld [smem:$0x3FFC];
	_ =	sdelay $0x3  }
0x94: {  	_ =	strace s2  }
0x95: {  	s2 =	sld [smem:$0x3FFD];
	_ =	sdelay $0x3  }
0x96: {  	_ =	strace s2  }
0x97: {  	_ =	strace $0x8FFFFFFF  }
0x98: {  	s18 =	sld [smem:$0x3FDB];
	_ =	sdelay $0x1  }
0x99: {  	s19 =	simm.s32 $_scs_section_size  }
0x9a: {  	s4 =	simm.s32 $_size__tile_overlayer_lowered;
	s5 =	simm.s32 $_tile_overlayer_lowered  }
0x9b: {  	s22 =	simm.s32 $0x1BFF;
	s21 =	sshll.u32 s5, $0x1;
	s2 =	sadd.s32 s19, s18  }
0x9c: {  	s6 =	simm.s32 $0x0;
	s20 =	sshll.u32 s4, $0x1;
	s4 =	sadd.s32 s21, s2  }
0x9d: {  	[timem:s6], [sflag:s22] =	dma.local [hbm:s4], s20  }
0x9e: {  	_ =	swait.ge [sflag:s22], s20  }
0x9f: {  	s3 =	ssub.s32 $0x0, s20;
	[sflag:s22] =	ssyncset.done $0x0  }
0xa0: {  	[sflag:s22] =	ssyncadd.s32 s3;
	_ =	sdelay $0x1  }
0xa1: {  	s23 =	simm.s32 $0x1B8B  }
0xa2: {  	_ =	swait.ge [sflag:s23], $0x1  }
0xa3: {  	[sflag:s23] =	ssyncset.done $0x0  }
0xa4: {  	s25 =	simm.s32 $0x1B8E;
	s24 =	sld [smem:$0x3FFE];
	[sflag:s23] =	ssyncadd.s32 $0xFFFFFFFF  }
0xa5: {  	s26 =	simm.s32 $execute0_lowered;
	[smem:$0x3FD2] =	sst s25  }
0xa6: {  	s4 =	sshll.u32 s26, $0x1;
	_ =	strace $0x80000046;
	[dreg:$0x1] =	wrdreg $0xFFFFFFFF  }
0xa7: {  	s28 =	simm.s32 $_size_execute0_lowered;
	s2 =	sadd.s32 s2, s4;
	[dreg:$0x0] =	wrdreg $0x0  }
0xa8: {  	s4 =	sshll.u32 s28, $0x1;
	[dreg:$0x2] =	wrdreg s2  }
0xa9: {  	[dreg:$0x3] =	wrdreg s4  }
0xaa: {  	[dreg:$0x4] =	wrdreg $0xC0  }
0xab: {  	_ =	task [dreg:s6], $0x5FFFF  }
0xac: {  	[dreg:$0x1] =	wrdreg $0xFFFFFFFF  }
0xad: {  	[dreg:$0x0] =	wrdreg $0x60  }
0xae: {  	[dreg:$0x2] =	wrdreg s24  }
0xaf: {  	[dreg:$0x3] =	wrdreg $0x9  }
0xb0: {  	_ =	task.clear_ibuf [dreg:s6], $0x4FFFF;
	_ =	strace $0x90000046  }
0xb1: {  	s29 =	simm.s32 $0x9;
	_ =	strace $0x80000048  }
0xb2: {  	_ =	swait.ge [sflag:s29], $0x1  }
0xb3: {  	[sflag:s29] =	ssyncadd.s32 $0xFFFFFFFF  }
0xb4: {  	_ =	strace $0x90000048  }
0xb5: {  	_ =	sfence  }
0xb6: {  	s30 =	sld [smem:$0x0];
	_ =	sdelay $0x2  }
0xb7: {  	s31 =	sshll.u32 s1, $0xD;
	s1 =	sshrl.u32 s1, $0x2  }
0xb8: {  	s3 =	sand.u32 $0x4000, s31;
	s1 =	sadd.s32 s1, s30  }
0xb9: {  	s0 =	sor.u32 s3, s0;
	s1 =	sshll.u32 s1, $0x11  }
0xba: {  	s0 =	sor.u32 s1, s0  }
0xbb: {  	s0 =	sadd.s32 $0x8F2B, s0  }
0xbc: {  	[sflag:s0] =	ssyncadd.remote.s32 $0x1  }
0xbd: {  	_ =	sfence.sel $0xFFFF  }
0xbe: {  	[dreg:$0x0] =	wrdreg $0xFFFFFFFF;
	(pc) =	sbr.abs _section_cstart, $3  }
0xbf: {  	[dreg:$0x1] =	wrdreg $0xFFFFFFFF  }
0xc0: {  	_ =	task.clear_ibuf [dreg:s6], $0x2FFFF;
	_ =	strace $0x9FFFFFFF  }
0xc1: {  	(tm) =	ssettm $0x7FFFFFFF  }
tec
execute0_lowered:
.L_overlay_start_1:
0x0: {  	(tag) =	ssettag $0x1  }
0x1: {  	s4 =	rddreg [dreg:$0x0]  }
0x2: {  	s0 =	rddreg [dreg:$0x1];
	s1 =	simm.s32 $0x0;
	s3 =	srdreg.scid  }
0x3: {  	s2 =	stileid.u32;
	[smem:$0x7FF] =	sst s1  }
0x4: {  	s6 =	sadd.s32 $0x2C00, s4;
	s5 =	sand.u32 $0x1, s3;
	s3 =	sadd.s32 $0x3800, s4  }
0x5: {  	s7 =	sshll.u32 s2, $0x2;
	s9 =	sadd.s32 $0x3C00, s4;
	s25 =	sshrl.u32 s2, $0x1  }
0x6: {  	_ =	strace $0x80000047;
	s8 =	sshll.u32 s5, $0x1;
	s5 =	ssub.s32 $0x2, s5  }
0x7: {  	s4 =	smul.u32 $0xC00, s25;
	s7 =	sor.u32 s8, s7;
	s12 =	sshrl.u32 s5, $0x1  }
0x8: {  	s8 =	sshll.u32 s7, $0x7;
	s10 =	sor.u32 $0x1, s7;
	s12 =	ssub.s32 s5, s12  }
0x9: {  	s29 =	sshll.u32 s7, $0xA;
	s8 =	sand.u32 $0x300, s8;
	s11 =	sshll.u32 s10, $0x7  }
0xa: {  	s5 =	sadd.s32 s9, s29;
	s31 =	sshll.u32 s10, $0xA;
	s10 =	simm.s32 $0x400  }
0xb: {  	v0 =	vlaneseq.u32;
	s8 =	sor.u32 s4, s8;
	s11 =	sand.u32 $0x380, s11;
	s7 =	sadd.s32 s9, s31  }
0xc: {  	v0 =	vmul.u32 $0x80, v0;
	s9 =	simm.s32 $0x80;
	s26 =	sshrl.u32 s8, $0x3;
	s28 =	sor.u32 s4, s11  }
0xd: {  	v1 =	vimm.f32 $1.000000000e+00;
	s8 =	smax.u32 s12, $0x1;
	s11 =	simm.s32 $0x1;
	s30 =	sshrl.u32 s28, $0x3  }
0xe: {  	v2 =	vor.u32 $0x800, v0;
	v3 =	vor.u32 $0x1000, v0;
	v4 =	vor.u32 $0x1800, v0;
	s12 =	simm.s32 $0x180;
	s4 =	sadd.s32 s6, s26;
	s6 =	sadd.s32 s6, s30  }
.LBB2_1:
0xf: {  	[tilespmem:s1], [sflag:$0x1] =	stream.strided.gather [hbm4b:s4+s9], $0x180, s10, s9, $0x38;
	[tilespmem:$0x2180] =	vst v63  }
0x10: {  	_ =	swait.ge [sflag:s11], $0x180  }
0x11: {  	[sflag:s11] =	ssyncset.done $0x0  }
0x12: {  	[sflag:s11] =	ssyncadd.s32 $0xFFFFFE80  }
0x13: {  	[tilespmem:s12], [sflag:$0x1] =	stream.linear.gather [hbm4b:s3+s1], $0x2000, $0x38;
	[tilespmem:$0x2180] =	vst v63  }
0x14: {  	_ =	swait.ge [sflag:s11], $0x2000  }
0x15: {  	[sflag:s11] =	ssyncset.done $0x0  }
0x16: {  	[sflag:s11] =	ssyncadd.s32 $0xFFFFE000  }
0x17: {  	v5 =	vld [tilespmem:$0x0];
	_ =	sdelay $0x4  }
0x18: {  	v5 =	vadd.s32 v0, v5;
	_ =	sdelay $0x4  }
0x19: {  	[tilespmem:v5+s12+$0x0] =	vst.idx.add.f32.msk $0xffff, v1  }
0x1a: {  	v5 =	vld [tilespmem:$0x10];
	_ =	sdelay $0x4  }
0x1b: {  	v5 =	vadd.s32 v2, v5;
	_ =	sdelay $0x4  }
0x1c: {  	[tilespmem:v5+s12+$0x0] =	vst.idx.add.f32.msk $0xffff, v1  }
0x1d: {  	v5 =	vld [tilespmem:$0x20];
	_ =	sdelay $0x4  }
0x1e: {  	v5 =	vadd.s32 v3, v5;
	_ =	sdelay $0x4  }
0x1f: {  	[tilespmem:v5+s12+$0x0] =	vst.idx.add.f32.msk $0xffff, v1  }
0x20: {  	v5 =	vld [tilespmem:$0x30];
	_ =	sdelay $0x4  }
0x21: {  	v5 =	vadd.s32 v4, v5;
	_ =	sdelay $0x4  }
0x22: {  	[tilespmem:v5+s12+$0x0] =	vst.idx.add.f32.msk $0xffff, v1  }
0x23: {  	v5 =	vld [tilespmem:$0x40];
	_ =	sdelay $0x4  }
0x24: {  	v5 =	vadd.s32 v0, v5;
	_ =	sdelay $0x4  }
0x25: {  	[tilespmem:v5+s12+$0x0] =	vst.idx.add.f32.msk $0xffff, v1  }
0x26: {  	v5 =	vld [tilespmem:$0x50];
	_ =	sdelay $0x4  }
0x27: {  	v5 =	vadd.s32 v2, v5;
	_ =	sdelay $0x4  }
0x28: {  	[tilespmem:v5+s12+$0x0] =	vst.idx.add.f32.msk $0xffff, v1  }
0x29: {  	v5 =	vld [tilespmem:$0x60];
	_ =	sdelay $0x4  }
0x2a: {  	v5 =	vadd.s32 v3, v5;
	_ =	sdelay $0x4  }
0x2b: {  	[tilespmem:v5+s12+$0x0] =	vst.idx.add.f32.msk $0xffff, v1  }
0x2c: {  	v5 =	vld [tilespmem:$0x70];
	_ =	sdelay $0x4  }
0x2d: {  	v5 =	vadd.s32 v4, v5;
	_ =	sdelay $0x4  }
0x2e: {  	[tilespmem:v5+s12+$0x0] =	vst.idx.add.f32.msk $0xffff, v1  }
0x2f: {  	v5 =	vld [tilespmem:$0x80];
	_ =	sdelay $0x4  }
0x30: {  	v5 =	vadd.s32 v0, v5;
	_ =	sdelay $0x4  }
0x31: {  	[tilespmem:v5+s12+$0x0] =	vst.idx.add.f32.msk $0xffff, v1  }
0x32: {  	v5 =	vld [tilespmem:$0x90];
	_ =	sdelay $0x4  }
0x33: {  	v5 =	vadd.s32 v2, v5;
	_ =	sdelay $0x4  }
0x34: {  	[tilespmem:v5+s12+$0x0] =	vst.idx.add.f32.msk $0xffff, v1  }
0x35: {  	v5 =	vld [tilespmem:$0xA0];
	_ =	sdelay $0x4  }
0x36: {  	v5 =	vadd.s32 v3, v5;
	_ =	sdelay $0x4  }
0x37: {  	[tilespmem:v5+s12+$0x0] =	vst.idx.add.f32.msk $0xffff, v1  }
0x38: {  	v5 =	vld [tilespmem:$0xB0];
	_ =	sdelay $0x4  }
0x39: {  	v5 =	vadd.s32 v4, v5;
	_ =	sdelay $0x4  }
0x3a: {  	[tilespmem:v5+s12+$0x0] =	vst.idx.add.f32.msk $0xffff, v1  }
0x3b: {  	v5 =	vld [tilespmem:$0xC0];
	_ =	sdelay $0x4  }
0x3c: {  	v5 =	vadd.s32 v0, v5;
	_ =	sdelay $0x4  }
0x3d: {  	[tilespmem:v5+s12+$0x0] =	vst.idx.add.f32.msk $0xffff, v1  }
0x3e: {  	v5 =	vld [tilespmem:$0xD0];
	_ =	sdelay $0x4  }
0x3f: {  	v5 =	vadd.s32 v2, v5;
	_ =	sdelay $0x4  }
0x40: {  	[tilespmem:v5+s12+$0x0] =	vst.idx.add.f32.msk $0xffff, v1  }
0x41: {  	v5 =	vld [tilespmem:$0xE0];
	_ =	sdelay $0x4  }
0x42: {  	v5 =	vadd.s32 v3, v5;
	_ =	sdelay $0x4  }
0x43: {  	[tilespmem:v5+s12+$0x0] =	vst.idx.add.f32.msk $0xffff, v1  }
0x44: {  	v5 =	vld [tilespmem:$0xF0];
	_ =	sdelay $0x4  }
0x45: {  	v5 =	vadd.s32 v4, v5;
	_ =	sdelay $0x4  }
0x46: {  	[tilespmem:v5+s12+$0x0] =	vst.idx.add.f32.msk $0xffff, v1  }
0x47: {  	v5 =	vld [tilespmem:$0x100];
	_ =	sdelay $0x4  }
0x48: {  	v5 =	vadd.s32 v0, v5;
	_ =	sdelay $0x4  }
0x49: {  	[tilespmem:v5+s12+$0x0] =	vst.idx.add.f32.msk $0xffff, v1  }
0x4a: {  	v5 =	vld [tilespmem:$0x110];
	_ =	sdelay $0x4  }
0x4b: {  	v5 =	vadd.s32 v2, v5;
	_ =	sdelay $0x4  }
0x4c: {  	[tilespmem:v5+s12+$0x0] =	vst.idx.add.f32.msk $0xffff, v1  }
0x4d: {  	v5 =	vld [tilespmem:$0x120];
	_ =	sdelay $0x4  }
0x4e: {  	v5 =	vadd.s32 v3, v5;
	_ =	sdelay $0x4  }
0x4f: {  	[tilespmem:v5+s12+$0x0] =	vst.idx.add.f32.msk $0xffff, v1  }
0x50: {  	v5 =	vld [tilespmem:$0x130];
	_ =	sdelay $0x4  }
0x51: {  	v5 =	vadd.s32 v4, v5;
	_ =	sdelay $0x4  }
0x52: {  	[tilespmem:v5+s12+$0x0] =	vst.idx.add.f32.msk $0xffff, v1  }
0x53: {  	v5 =	vld [tilespmem:$0x140];
	_ =	sdelay $0x4  }
0x54: {  	v5 =	vadd.s32 v0, v5;
	_ =	sdelay $0x4  }
0x55: {  	[tilespmem:v5+s12+$0x0] =	vst.idx.add.f32.msk $0xffff, v1  }
0x56: {  	v5 =	vld [tilespmem:$0x150];
	_ =	sdelay $0x4  }
0x57: {  	v5 =	vadd.s32 v2, v5;
	_ =	sdelay $0x4  }
0x58: {  	[tilespmem:v5+s12+$0x0] =	vst.idx.add.f32.msk $0xffff, v1  }
0x59: {  	v5 =	vld [tilespmem:$0x160];
	_ =	sdelay $0x4  }
0x5a: {  	v5 =	vadd.s32 v3, v5;
	_ =	sdelay $0x4  }
0x5b: {  	[tilespmem:v5+s12+$0x0] =	vst.idx.add.f32.msk $0xffff, v1  }
0x5c: {  	v5 =	vld [tilespmem:$0x170];
	_ =	sdelay $0x4  }
0x5d: {  	v5 =	vadd.s32 v4, v5;
	_ =	sdelay $0x4  }
0x5e: {  	[tilespmem:v5+s12+$0x0] =	vst.idx.add.f32.msk $0xffff, v1  }
0x5f: {  	[hbm4b:s5+s1] =	stream.linear.scatter [tilespmem:s12], [sflag:$0x1], $0x2000, $0x38;
	[tilespmem:$0x2180] =	vst v63  }
0x60: {  	_ =	swait.ge [sflag:s11], $0x2000  }
0x61: {  	[sflag:s11] =	ssyncset.done $0x0  }
0x62: {  	[sflag:s11] =	ssyncadd.s32 $0xFFFFE000  }
0x63: {  	[tilespmem:s1], [sflag:$0x1] =	stream.strided.gather [hbm4b:s6+s9], $0x180, s10, s9, $0x38;
	[tilespmem:$0x2180] =	vst v63  }
0x64: {  	_ =	swait.ge [sflag:s11], $0x180  }
0x65: {  	[sflag:s11] =	ssyncset.done $0x0  }
0x66: {  	[sflag:s11] =	ssyncadd.s32 $0xFFFFFE80  }
0x67: {  	[tilespmem:s12], [sflag:$0x1] =	stream.linear.gather [hbm4b:s3+s1], $0x2000, $0x38;
	[tilespmem:$0x2180] =	vst v63  }
0x68: {  	_ =	swait.ge [sflag:s11], $0x2000  }
0x69: {  	[sflag:s11] =	ssyncset.done $0x0  }
0x6a: {  	[sflag:s11] =	ssyncadd.s32 $0xFFFFE000  }
0x6b: {  	v5 =	vld [tilespmem:$0x0];
	_ =	sdelay $0x4  }
0x6c: {  	v5 =	vadd.s32 v0, v5;
	_ =	sdelay $0x4  }
0x6d: {  	[tilespmem:v5+s12+$0x0] =	vst.idx.add.f32.msk $0xffff, v1  }
0x6e: {  	v5 =	vld [tilespmem:$0x10];
	_ =	sdelay $0x4  }
0x6f: {  	v5 =	vadd.s32 v2, v5;
	_ =	sdelay $0x4  }
0x70: {  	[tilespmem:v5+s12+$0x0] =	vst.idx.add.f32.msk $0xffff, v1  }
0x71: {  	v5 =	vld [tilespmem:$0x20];
	_ =	sdelay $0x4  }
0x72: {  	v5 =	vadd.s32 v3, v5;
	_ =	sdelay $0x4  }
0x73: {  	[tilespmem:v5+s12+$0x0] =	vst.idx.add.f32.msk $0xffff, v1  }
0x74: {  	v5 =	vld [tilespmem:$0x30];
	_ =	sdelay $0x4  }
0x75: {  	v5 =	vadd.s32 v4, v5;
	_ =	sdelay $0x4  }
0x76: {  	[tilespmem:v5+s12+$0x0] =	vst.idx.add.f32.msk $0xffff, v1  }
0x77: {  	v5 =	vld [tilespmem:$0x40];
	_ =	sdelay $0x4  }
0x78: {  	v5 =	vadd.s32 v0, v5;
	_ =	sdelay $0x4  }
0x79: {  	[tilespmem:v5+s12+$0x0] =	vst.idx.add.f32.msk $0xffff, v1  }
0x7a: {  	v5 =	vld [tilespmem:$0x50];
	_ =	sdelay $0x4  }
0x7b: {  	v5 =	vadd.s32 v2, v5;
	_ =	sdelay $0x4  }
0x7c: {  	[tilespmem:v5+s12+$0x0] =	vst.idx.add.f32.msk $0xffff, v1  }
0x7d: {  	v5 =	vld [tilespmem:$0x60];
	_ =	sdelay $0x4  }
0x7e: {  	v5 =	vadd.s32 v3, v5;
	_ =	sdelay $0x4  }
0x7f: {  	[tilespmem:v5+s12+$0x0] =	vst.idx.add.f32.msk $0xffff, v1  }
0x80: {  	v5 =	vld [tilespmem:$0x70];
	_ =	sdelay $0x4  }
0x81: {  	v5 =	vadd.s32 v4, v5;
	_ =	sdelay $0x4  }
0x82: {  	[tilespmem:v5+s12+$0x0] =	vst.idx.add.f32.msk $0xffff, v1  }
0x83: {  	v5 =	vld [tilespmem:$0x80];
	_ =	sdelay $0x4  }
0x84: {  	v5 =	vadd.s32 v0, v5;
	_ =	sdelay $0x4  }
0x85: {  	[tilespmem:v5+s12+$0x0] =	vst.idx.add.f32.msk $0xffff, v1  }
0x86: {  	v5 =	vld [tilespmem:$0x90];
	_ =	sdelay $0x4  }
0x87: {  	v5 =	vadd.s32 v2, v5;
	_ =	sdelay $0x4  }
0x88: {  	[tilespmem:v5+s12+$0x0] =	vst.idx.add.f32.msk $0xffff, v1  }
0x89: {  	v5 =	vld [tilespmem:$0xA0];
	_ =	sdelay $0x4  }
0x8a: {  	v5 =	vadd.s32 v3, v5;
	_ =	sdelay $0x4  }
0x8b: {  	[tilespmem:v5+s12+$0x0] =	vst.idx.add.f32.msk $0xffff, v1  }
0x8c: {  	v5 =	vld [tilespmem:$0xB0];
	_ =	sdelay $0x4  }
0x8d: {  	v5 =	vadd.s32 v4, v5;
	_ =	sdelay $0x4  }
0x8e: {  	[tilespmem:v5+s12+$0x0] =	vst.idx.add.f32.msk $0xffff, v1  }
0x8f: {  	v5 =	vld [tilespmem:$0xC0];
	_ =	sdelay $0x4  }
0x90: {  	v5 =	vadd.s32 v0, v5;
	_ =	sdelay $0x4  }
0x91: {  	[tilespmem:v5+s12+$0x0] =	vst.idx.add.f32.msk $0xffff, v1  }
0x92: {  	v5 =	vld [tilespmem:$0xD0];
	_ =	sdelay $0x4  }
0x93: {  	v5 =	vadd.s32 v2, v5;
	_ =	sdelay $0x4  }
0x94: {  	[tilespmem:v5+s12+$0x0] =	vst.idx.add.f32.msk $0xffff, v1  }
0x95: {  	v5 =	vld [tilespmem:$0xE0];
	_ =	sdelay $0x4  }
0x96: {  	v5 =	vadd.s32 v3, v5;
	_ =	sdelay $0x4  }
0x97: {  	[tilespmem:v5+s12+$0x0] =	vst.idx.add.f32.msk $0xffff, v1  }
0x98: {  	v5 =	vld [tilespmem:$0xF0];
	_ =	sdelay $0x4  }
0x99: {  	v5 =	vadd.s32 v4, v5;
	_ =	sdelay $0x4  }
0x9a: {  	[tilespmem:v5+s12+$0x0] =	vst.idx.add.f32.msk $0xffff, v1  }
0x9b: {  	v5 =	vld [tilespmem:$0x100];
	_ =	sdelay $0x4  }
0x9c: {  	v5 =	vadd.s32 v0, v5;
	_ =	sdelay $0x4  }
0x9d: {  	[tilespmem:v5+s12+$0x0] =	vst.idx.add.f32.msk $0xffff, v1  }
0x9e: {  	v5 =	vld [tilespmem:$0x110];
	_ =	sdelay $0x4  }
0x9f: {  	v5 =	vadd.s32 v2, v5;
	_ =	sdelay $0x4  }
0xa0: {  	[tilespmem:v5+s12+$0x0] =	vst.idx.add.f32.msk $0xffff, v1  }
0xa1: {  	v5 =	vld [tilespmem:$0x120];
	_ =	sdelay $0x4  }
0xa2: {  	v5 =	vadd.s32 v3, v5;
	_ =	sdelay $0x4  }
0xa3: {  	[tilespmem:v5+s12+$0x0] =	vst.idx.add.f32.msk $0xffff, v1  }
0xa4: {  	v5 =	vld [tilespmem:$0x130];
	_ =	sdelay $0x4  }
0xa5: {  	v5 =	vadd.s32 v4, v5;
	_ =	sdelay $0x4  }
0xa6: {  	[tilespmem:v5+s12+$0x0] =	vst.idx.add.f32.msk $0xffff, v1  }
0xa7: {  	v5 =	vld [tilespmem:$0x140];
	_ =	sdelay $0x4  }
0xa8: {  	v5 =	vadd.s32 v0, v5;
	_ =	sdelay $0x4  }
0xa9: {  	[tilespmem:v5+s12+$0x0] =	vst.idx.add.f32.msk $0xffff, v1  }
0xaa: {  	v5 =	vld [tilespmem:$0x150];
	_ =	sdelay $0x4  }
0xab: {  	v5 =	vadd.s32 v2, v5;
	_ =	sdelay $0x4  }
0xac: {  	[tilespmem:v5+s12+$0x0] =	vst.idx.add.f32.msk $0xffff, v1  }
0xad: {  	v5 =	vld [tilespmem:$0x160];
	_ =	sdelay $0x4  }
0xae: {  	v5 =	vadd.s32 v3, v5;
	_ =	sdelay $0x4  }
0xaf: {  	[tilespmem:v5+s12+$0x0] =	vst.idx.add.f32.msk $0xffff, v1  }
0xb0: {  	v5 =	vld [tilespmem:$0x170];
	_ =	sdelay $0x4  }
0xb1: {  	v5 =	vadd.s32 v4, v5;
	_ =	sdelay $0x3  }
0xb2: {  	p0 =	sne.s32 s8, $0x1  }
.Ltmp0:
0xb3: {  	[tilespmem:v5+s12+$0x0] =	vst.idx.add.f32.msk $0xffff, v1;
	(pc) =	sbr.rel @p0 .LBB2_1-.Ltmp0, $4  }
0xb4: {  	[hbm4b:s7+s1] =	stream.linear.scatter [tilespmem:s12], [sflag:$0x1], $0x2000, $0x38;
	[tilespmem:$0x2180] =	vst v63  }
0xb5: {  	_ =	swait.ge [sflag:s11], $0x2000  }
0xb6: {  	[sflag:s11] =	ssyncset.done $0x0  }
0xb7: {  	s8 =	sadd.s32 $0xFFFFFFFF, s8;
	[sflag:s11] =	ssyncadd.s32 $0xFFFFE000  }
0xb8: {  	_ =	sfence.sel $0x180000  }
0xb9: {  	[bflag:$0x0] =	sbarrier.arrive $0xFFFF  }
0xba: {  	p0 =	sne.s32 s2, $0x0;
	_ =	strace $0x90000047  }
0xbb: {  	s0 =	sadd.s32 @!p0 $0x100000, s0;
	[bflag:$0x2] =	sbarrier.arrive $0xFFFF  }
0xbc: {  	[sflag:s0] =	ssyncadd.tile.s32 @!p0 $0x1;
	_ =	shalt  }
.Lfunc_end2:
_tile_overlayer_lowered:
.L_overlay_start_2:
0xbd: {  	(tag) =	ssettag $0x2  }
0xbe: {  	s0 =	rddreg [dreg:$0x0];
	s2 =	stileid.u32  }
0xbf: {  	s1 =	rddreg [dreg:$0x1];
	p0 =	sne.s32 s2, $0x0  }
0xc0: {  	s3 =	rddreg [dreg:$0x2];
	[bflag:$0x3] =	sbarrier.arrive $0xFFFF;
	s2 =	simm.s32 @!p0 $0x1C01  }
0xc1: {  	[timem:s3], [sflag:s2] =	dma.local @!p0 [hbm:s0], s1  }
0xc2: {  	s0 =	simm.s32 @!p0 $0x1  }
0xc3: {  	_ =	swait.ge @!p0 [sflag:s0], s1  }
0xc4: {  	s1 =	ssub.s32 @!p0 $0x0, s1;
	[sflag:s0] =	ssyncset.done @!p0 $0x0  }
0xc5: {  	[sflag:s0] =	ssyncadd.s32 @!p0 s1  }
0xc6: {  	[bflag:$0x3] =	sbarrier.arrive $0xFFFF  }
0xc7: {  	_ =	shalt  }

</sc_bundles>
